<compile_context>
chip_gen: v7x
topology: tpu7x:2x2x1
jax: 0.10.2.dev20260603
libtpu: 0.0.44.dev20260713+nightly
codegen_flags: <defaults>
</compile_context>

<pallas_src>
import functools

import jax
import jax.numpy as jnp
from jax import lax
from jax.experimental import pallas as pl
from jax.experimental.pallas import tpu as pltpu
from jax.experimental.pallas import tpu_sc as plsc

V = 10000
D = 256
E = 160000
NC = 2
NS = 16
HALF = D // NC
CHUNK = 128
CHUNKS = 80
NHALF = 2
HC = CHUNKS // NHALF
E_PAD = NS * CHUNKS * CHUNK
V_PAD = 10112
ZROWS = V_PAD // NS

_mesh = plsc.VectorSubcoreMesh(
    core_axis_name="c", subcore_axis_name="s", num_cores=NC, num_subcores=NS
)


@functools.partial(
    pl.kernel,
    out_type=(
        jax.ShapeDtypeStruct((V_PAD, HALF), jnp.float32),
        jax.ShapeDtypeStruct((V_PAD, HALF), jnp.float32),
    ),
    mesh=_mesh,
    scratch_types=[
        pltpu.VMEM((HC, CHUNK), jnp.int32),
        pltpu.VMEM((HC, CHUNK), jnp.int32),
        pltpu.VMEM((CHUNK, HALF), jnp.float32),
        pltpu.VMEM((CHUNK, HALF), jnp.float32),
        pltpu.VMEM_SHARED((V_PAD, HALF), jnp.float32),
        pltpu.SemaphoreType.DMA,
        pltpu.SemaphoreType.DMA,
    ],
)
def _sc_scatter(x_lo, x_hi, s_hbm, t_hbm, z_hbm, out_lo, out_hi,
                s_v, t_v, buf0, buf1, acc, sem0, sem1):
    cid = lax.axis_index("c")
    tid = lax.axis_index("s")

    pltpu.sync_copy(z_hbm.at[pl.ds(tid * ZROWS, ZROWS)],
                    acc.at[pl.ds(tid * ZROWS, ZROWS)])
    plsc.subcore_barrier()

    def run_half(x_hbm):
        for h in range(NHALF):
            pltpu.sync_copy(s_hbm.at[tid, h], s_v)
            pltpu.sync_copy(t_hbm.at[tid, h], t_v)
            pltpu.async_copy(x_hbm.at[s_v.at[0]], buf0, sem0)

            def step(g, carry):
                j = 2 * g
                pltpu.make_async_copy(x_hbm.at[s_v.at[j]], buf0, sem0).wait()
                pltpu.async_copy(x_hbm.at[s_v.at[j + 1]], buf1, sem1)
                pltpu.sync_copy(buf0, acc.at[t_v.at[j]], add=True)

                pltpu.make_async_copy(x_hbm.at[s_v.at[j + 1]], buf1, sem1).wait()

                @pl.when(g < HC // 2 - 1)
                def _():
                    pltpu.async_copy(x_hbm.at[s_v.at[j + 2]], buf0, sem0)

                pltpu.sync_copy(buf1, acc.at[t_v.at[j + 1]], add=True)
                return carry

            lax.fori_loop(0, HC // 2, step, 0)

    @pl.when(cid == 0)
    def _():
        run_half(x_lo)

    @pl.when(cid == 1)
    def _():
        run_half(x_hi)

    plsc.subcore_barrier()

    @pl.when(cid == 0)
    def _():
        pltpu.sync_copy(acc.at[pl.ds(tid * ZROWS, ZROWS)],
                        out_lo.at[pl.ds(tid * ZROWS, ZROWS)])

    @pl.when(cid == 1)
    def _():
        pltpu.sync_copy(acc.at[pl.ds(tid * ZROWS, ZROWS)],
                        out_hi.at[pl.ds(tid * ZROWS, ZROWS)])


def kernel(input, eidx):
    x_lo = input[:HALF].T
    x_hi = input[HALF:].T
    sidx = eidx[0].astype(jnp.int32)
    tidx = eidx[1].astype(jnp.int32)
    pad = E_PAD - E
    s_p = jnp.concatenate([sidx, jnp.zeros((pad,), jnp.int32)])
    t_p = jnp.concatenate([tidx, jnp.full((pad,), V, jnp.int32)])
    s_r = s_p.reshape(NS, NHALF, HC, CHUNK)
    t_r = t_p.reshape(NS, NHALF, HC, CHUNK)
    zeros = jnp.zeros((V_PAD, HALF), jnp.float32)
    out_lo, out_hi = _sc_scatter(x_lo, x_hi, s_r, t_r, zeros)
    return jnp.concatenate([out_lo[:V], out_hi[:V]], axis=1).T

# --- scband reference (transcript-rebuilt; emitter-appended) ---
"""Pipeline reference for scband-hi-cgraph-conv-4063039062813 (READ-ONLY COPY).

The authoritative reference and input builder live on the scoring server;
editing this copy changes nothing except your own understanding.
"""

import jax, jax.numpy as jnp
import numpy as np


def setup_inputs(seed: int = 0) -> dict:
    key = jax.random.key(seed)
    k1, k2 = jax.random.split(key)
    input = jax.random.normal(k1, (256, 10000), dtype=jnp.float32)
    eidx = jax.random.randint(k2, (2, 160000), 0, 10000, dtype=jnp.int64)
    return {"input": input, "eidx": eidx}


def reference(input, eidx):
    # Faithful translation of HiCGraphConv.forward:
    # NOTE: the torch code indexes/scatters along dim 1, so `input` is
    # laid out as [n_features, n_vertices].
    sidx = eidx[0]
    tidx = eidx[1]
    # message = input[:, sidx]  (gather columns by source vertex)
    message = jnp.take(input, sidx, axis=1)  # [d, E]
    # res.scatter_add_(1, tidx_expanded, message)
    res = jnp.zeros_like(input).at[:, tidx].add(message)
    return res

if __name__ == "__main__":
    import jax
    _d = setup_inputs()
    print(jax.jit(kernel)(*tuple(_d.values())))

</pallas_src>

<mosaic_0001>
#map = affine_map<(d0, d1) -> (0, 0)>
#map1 = affine_map<(d0, d1) -> (0, 0, 0, 0)>
module attributes {stable_mosaic.version = 14 : i64} {
  func.func @_sc_scatter(%arg0: i32, %arg1: i32, %arg2: memref<10000x128xf32, #tpu.memory_space<hbm>>, %arg3: memref<10000x128xf32, #tpu.memory_space<hbm>>, %arg4: memref<16x2x40x128xi32, #tpu.memory_space<hbm>>, %arg5: memref<16x2x40x128xi32, #tpu.memory_space<hbm>>, %arg6: memref<10112x128xf32, #tpu.memory_space<hbm>>, %arg7: memref<10112x128xf32, #tpu.memory_space<hbm>>, %arg8: memref<10112x128xf32, #tpu.memory_space<hbm>>, %arg9: memref<40x128xi32, #tpu.memory_space<vmem>>, %arg10: memref<40x128xi32, #tpu.memory_space<vmem>>, %arg11: memref<128x128xf32, #tpu.memory_space<vmem>>, %arg12: memref<128x128xf32, #tpu.memory_space<vmem>>, %arg13: memref<10112x128xf32, #tpu.memory_space<vmem_shared>>, %arg14: memref<!tpu.dma_semaphore, #tpu.memory_space<semaphore_mem>>, %arg15: memref<!tpu.dma_semaphore, #tpu.memory_space<semaphore_mem>>) attributes {dimension_semantics = [#tpu.dimension_semantics<core_parallel>, #tpu.dimension_semantics<subcore_parallel>], iteration_bounds = array<i64: 2, 16>, scalar_prefetch = 0 : i64, scratch_operands = 7 : i64, tpu.core_type = #tpu.core_type<sc_vector_subcore>, window_params = [{transform_indices = #map}, {transform_indices = #map}, {transform_indices = #map1}, {transform_indices = #map1}, {transform_indices = #map}, {transform_indices = #map}, {transform_indices = #map}]} {
    %mul3A = arith.constant 632 : i32
    %mul3A_0 = arith.muli %arg1, %mul3A : i32
    %mul3A_1 = arith.constant 632 : i32
    %mul3A_2 = arith.muli %arg1, %mul3A_1 : i32
    "tpu.region"() ({
      %run_scoped3A = tpu.sem_alloc : memref<!tpu.dma_semaphore, #tpu.memory_space<semaphore_mem>>
      %dma_start3A = arith.constant 0 : i32
      %dma_start3A_21 = tpu.memref_slice %arg13[%mul3A_2, %dma_start3A] : memref<10112x128xf32, #tpu.memory_space<vmem_shared>> -> memref<632x128xf32, #tpu.memory_space<vmem_shared>>
      %dma_start3A_22 = arith.constant 0 : i32
      %dma_start3A_23 = tpu.memref_slice %arg6[%mul3A_0, %dma_start3A_22] : memref<10112x128xf32, #tpu.memory_space<hbm>> -> memref<632x128xf32, #tpu.memory_space<hbm>>
      tpu.enqueue_dma source(%dma_start3A_23 : memref<632x128xf32, #tpu.memory_space<hbm>>) target(%dma_start3A_21 : memref<632x128xf32, #tpu.memory_space<vmem_shared>>) target_semaphore(%run_scoped3A : memref<!tpu.dma_semaphore, #tpu.memory_space<semaphore_mem>>)
      %dma_wait3A = arith.constant 0 : i32
      %dma_wait3A_24 = tpu.memref_slice %arg13[%mul3A_2, %dma_wait3A] : memref<10112x128xf32, #tpu.memory_space<vmem_shared>> -> memref<632x128xf32, #tpu.memory_space<vmem_shared>>
      %dma_wait3A_25 = arith.constant 0 : i32
      %dma_wait3A_26 = tpu.memref_slice %arg6[%mul3A_0, %dma_wait3A_25] : memref<10112x128xf32, #tpu.memory_space<hbm>> -> memref<632x128xf32, #tpu.memory_space<hbm>>
      tpu.wait_dma2 semaphore(%run_scoped3A : memref<!tpu.dma_semaphore, #tpu.memory_space<semaphore_mem>>) src(%dma_wait3A_26 : memref<632x128xf32, #tpu.memory_space<hbm>>) dst(%dma_wait3A_24 : memref<632x128xf32, #tpu.memory_space<vmem_shared>>)
      tpu.yield
    }) : () -> ()
    %barrier3A = arith.constant 0 : index
    tpu.barrier barrier_id(%barrier3A)
    %eq3A = arith.constant 0 : i32
    %eq3A_3 = arith.cmpi eq, %arg0, %eq3A : i32
    %convert_element_type3A = arith.extui %eq3A_3 : i1 to i32
    %cond3A = arith.constant 0 : i32
    %cond3A_4 = arith.cmpi ne, %convert_element_type3A, %cond3A : i32
    scf.if %cond3A_4 {
      %run_scoped3A = arith.constant 0 : i32
      "tpu.region"() ({
        %run_scoped3A_48 = tpu.sem_alloc : memref<!tpu.dma_semaphore, #tpu.memory_space<semaphore_mem>>
        %dma_start3A_49 = arith.constant 0 : i32
        %dma_start3A_50 = arith.constant 0 : i32
        %dma_start3A_51 = tpu.memref_slice %arg4[%arg1, %run_scoped3A, %dma_start3A_49, %dma_start3A_50] : memref<16x2x40x128xi32, #tpu.memory_space<hbm>> -> memref<1x1x40x128xi32, #tpu.memory_space<hbm>>
        %dma_start3A_52 = tpu.memref_squeeze %dma_start3A_51 : memref<1x1x40x128xi32, #tpu.memory_space<hbm>> -> memref<40x128xi32, #tpu.memory_space<hbm>>
        %dma_start3A_53 = arith.constant 0 : i32
        %dma_start3A_54 = arith.constant 0 : i32
        %dma_start3A_55 = tpu.memref_slice %arg4[%arg1, %run_scoped3A, %dma_start3A_53, %dma_start3A_54] : memref<16x2x40x128xi32, #tpu.memory_space<hbm>> -> memref<1x1x40x128xi32, #tpu.memory_space<hbm>>
        %dma_start3A_56 = tpu.memref_squeeze %dma_start3A_55 : memref<1x1x40x128xi32, #tpu.memory_space<hbm>> -> memref<40x128xi32, #tpu.memory_space<hbm>>
        tpu.enqueue_dma source(%dma_start3A_56 : memref<40x128xi32, #tpu.memory_space<hbm>>) target(%arg9 : memref<40x128xi32, #tpu.memory_space<vmem>>) target_semaphore(%run_scoped3A_48 : memref<!tpu.dma_semaphore, #tpu.memory_space<semaphore_mem>>)
        %dma_wait3A = arith.constant 0 : i32
        %dma_wait3A_57 = arith.constant 0 : i32
        %dma_wait3A_58 = tpu.memref_slice %arg4[%arg1, %run_scoped3A, %dma_wait3A, %dma_wait3A_57] : memref<16x2x40x128xi32, #tpu.memory_space<hbm>> -> memref<1x1x40x128xi32, #tpu.memory_space<hbm>>
        %dma_wait3A_59 = tpu.memref_squeeze %dma_wait3A_58 : memref<1x1x40x128xi32, #tpu.memory_space<hbm>> -> memref<40x128xi32, #tpu.memory_space<hbm>>
        %dma_wait3A_60 = arith.constant 0 : i32
        %dma_wait3A_61 = arith.constant 0 : i32
        %dma_wait3A_62 = tpu.memref_slice %arg4[%arg1, %run_scoped3A, %dma_wait3A_60, %dma_wait3A_61] : memref<16x2x40x128xi32, #tpu.memory_space<hbm>> -> memref<1x1x40x128xi32, #tpu.memory_space<hbm>>
        %dma_wait3A_63 = tpu.memref_squeeze %dma_wait3A_62 : memref<1x1x40x128xi32, #tpu.memory_space<hbm>> -> memref<40x128xi32, #tpu.memory_space<hbm>>
        tpu.wait_dma2 semaphore(%run_scoped3A_48 : memref<!tpu.dma_semaphore, #tpu.memory_space<semaphore_mem>>) src(%dma_wait3A_63 : memref<40x128xi32, #tpu.memory_space<hbm>>) dst(%arg9 : memref<40x128xi32, #tpu.memory_space<vmem>>)
        tpu.yield
      }) : () -> ()
      %run_scoped3A_21 = arith.constant 0 : i32
      "tpu.region"() ({
        %run_scoped3A_48 = tpu.sem_alloc : memref<!tpu.dma_semaphore, #tpu.memory_space<semaphore_mem>>
        %dma_start3A_49 = arith.constant 0 : i32
        %dma_start3A_50 = arith.constant 0 : i32
        %dma_start3A_51 = tpu.memref_slice %arg5[%arg1, %run_scoped3A_21, %dma_start3A_49, %dma_start3A_50] : memref<16x2x40x128xi32, #tpu.memory_space<hbm>> -> memref<1x1x40x128xi32, #tpu.memory_space<hbm>>
        %dma_start3A_52 = tpu.memref_squeeze %dma_start3A_51 : memref<1x1x40x128xi32, #tpu.memory_space<hbm>> -> memref<40x128xi32, #tpu.memory_space<hbm>>
        %dma_start3A_53 = arith.constant 0 : i32
        %dma_start3A_54 = arith.constant 0 : i32
        %dma_start3A_55 = tpu.memref_slice %arg5[%arg1, %run_scoped3A_21, %dma_start3A_53, %dma_start3A_54] : memref<16x2x40x128xi32, #tpu.memory_space<hbm>> -> memref<1x1x40x128xi32, #tpu.memory_space<hbm>>
        %dma_start3A_56 = tpu.memref_squeeze %dma_start3A_55 : memref<1x1x40x128xi32, #tpu.memory_space<hbm>> -> memref<40x128xi32, #tpu.memory_space<hbm>>
        tpu.enqueue_dma source(%dma_start3A_56 : memref<40x128xi32, #tpu.memory_space<hbm>>) target(%arg10 : memref<40x128xi32, #tpu.memory_space<vmem>>) target_semaphore(%run_scoped3A_48 : memref<!tpu.dma_semaphore, #tpu.memory_space<semaphore_mem>>)
        %dma_wait3A = arith.constant 0 : i32
        %dma_wait3A_57 = arith.constant 0 : i32
        %dma_wait3A_58 = tpu.memref_slice %arg5[%arg1, %run_scoped3A_21, %dma_wait3A, %dma_wait3A_57] : memref<16x2x40x128xi32, #tpu.memory_space<hbm>> -> memref<1x1x40x128xi32, #tpu.memory_space<hbm>>
        %dma_wait3A_59 = tpu.memref_squeeze %dma_wait3A_58 : memref<1x1x40x128xi32, #tpu.memory_space<hbm>> -> memref<40x128xi32, #tpu.memory_space<hbm>>
        %dma_wait3A_60 = arith.constant 0 : i32
        %dma_wait3A_61 = arith.constant 0 : i32
        %dma_wait3A_62 = tpu.memref_slice %arg5[%arg1, %run_scoped3A_21, %dma_wait3A_60, %dma_wait3A_61] : memref<16x2x40x128xi32, #tpu.memory_space<hbm>> -> memref<1x1x40x128xi32, #tpu.memory_space<hbm>>
        %dma_wait3A_63 = tpu.memref_squeeze %dma_wait3A_62 : memref<1x1x40x128xi32, #tpu.memory_space<hbm>> -> memref<40x128xi32, #tpu.memory_space<hbm>>
        tpu.wait_dma2 semaphore(%run_scoped3A_48 : memref<!tpu.dma_semaphore, #tpu.memory_space<semaphore_mem>>) src(%dma_wait3A_63 : memref<40x128xi32, #tpu.memory_space<hbm>>) dst(%arg10 : memref<40x128xi32, #tpu.memory_space<vmem>>)
        tpu.yield
      }) : () -> ()
      %dma_start3A = arith.constant 0 : i32
      %dma_start3A_22 = arith.constant 0 : i32
      %dma_start3A_23 = tpu.memref_slice %arg9[%dma_start3A, %dma_start3A_22] : memref<40x128xi32, #tpu.memory_space<vmem>> -> memref<1x128xi32, #tpu.memory_space<vmem>>
      %dma_start3A_24 = tpu.memref_squeeze %dma_start3A_23 : memref<1x128xi32, #tpu.memory_space<vmem>> -> memref<128xi32, #tpu.memory_space<vmem>>
      %dma_start3A_25 = arith.constant 0 : i32
      %dma_start3A_26 = arith.constant 0 : i32
      %dma_start3A_27 = tpu.memref_slice %arg2[%dma_start3A_25, %dma_start3A_26] : memref<10000x128xf32, #tpu.memory_space<hbm>> -> memref<10000x128xf32, #tpu.memory_space<hbm>>
      tpu.enqueue_indirect_dma source(%dma_start3A_27 : memref<10000x128xf32, #tpu.memory_space<hbm>>) target(%arg11 : memref<128x128xf32, #tpu.memory_space<vmem>>) offsets(%dma_start3A_24 : memref<128xi32, #tpu.memory_space<vmem>>) semaphore(%arg14 : memref<!tpu.dma_semaphore, #tpu.memory_space<semaphore_mem>>)
      %scan3A = arith.constant 0 : i32
      %scan3A_28 = arith.constant 0 : i32
      %scan3A_29 = arith.constant 20 : i32
      %scan3A_30 = arith.addi %scan3A_28, %scan3A_29 : i32
      %scan3A_31 = arith.constant 1 : i32
      scf.for %scan3A_48 = %scan3A_28 to %scan3A_30 step %scan3A_31  : i32 {
        %mul3A_49 = arith.constant 2 : i32
        %mul3A_50 = arith.muli %mul3A_49, %scan3A_48 : i32
        %dma_wait3A = arith.constant 0 : i32
        %dma_wait3A_51 = tpu.memref_slice %arg9[%mul3A_50, %dma_wait3A] : memref<40x128xi32, #tpu.memory_space<vmem>> -> memref<1x128xi32, #tpu.memory_space<vmem>>
        %dma_wait3A_52 = tpu.memref_squeeze %dma_wait3A_51 : memref<1x128xi32, #tpu.memory_space<vmem>> -> memref<128xi32, #tpu.memory_space<vmem>>
        %dma_wait3A_53 = arith.constant 0 : i32
        %dma_wait3A_54 = arith.constant 0 : i32
        %dma_wait3A_55 = tpu.memref_slice %arg2[%dma_wait3A_53, %dma_wait3A_54] : memref<10000x128xf32, #tpu.memory_space<hbm>> -> memref<10000x128xf32, #tpu.memory_space<hbm>>
        tpu.wait_indirect_dma semaphore(%arg14 : memref<!tpu.dma_semaphore, #tpu.memory_space<semaphore_mem>>) src(%dma_wait3A_55 : memref<10000x128xf32, #tpu.memory_space<hbm>>) dst(%arg11 : memref<128x128xf32, #tpu.memory_space<vmem>>)
        %add3A = arith.constant 1 : i32
        %add3A_56 = arith.addi %mul3A_50, %add3A : i32
        %dma_start3A_57 = arith.constant 0 : i32
        %dma_start3A_58 = tpu.memref_slice %arg9[%add3A_56, %dma_start3A_57] : memref<40x128xi32, #tpu.memory_space<vmem>> -> memref<1x128xi32, #tpu.memory_space<vmem>>
        %dma_start3A_59 = tpu.memref_squeeze %dma_start3A_58 : memref<1x128xi32, #tpu.memory_space<vmem>> -> memref<128xi32, #tpu.memory_space<vmem>>
        %dma_start3A_60 = arith.constant 0 : i32
        %dma_start3A_61 = arith.constant 0 : i32
        %dma_start3A_62 = tpu.memref_slice %arg2[%dma_start3A_60, %dma_start3A_61] : memref<10000x128xf32, #tpu.memory_space<hbm>> -> memref<10000x128xf32, #tpu.memory_space<hbm>>
        tpu.enqueue_indirect_dma source(%dma_start3A_62 : memref<10000x128xf32, #tpu.memory_space<hbm>>) target(%arg12 : memref<128x128xf32, #tpu.memory_space<vmem>>) offsets(%dma_start3A_59 : memref<128xi32, #tpu.memory_space<vmem>>) semaphore(%arg15 : memref<!tpu.dma_semaphore, #tpu.memory_space<semaphore_mem>>)
        "tpu.region"() ({
          %run_scoped3A_77 = tpu.sem_alloc : memref<!tpu.dma_semaphore, #tpu.memory_space<semaphore_mem>>
          %dma_start3A_78 = arith.constant 0 : i32
          %dma_start3A_79 = tpu.memref_slice %arg10[%mul3A_50, %dma_start3A_78] : memref<40x128xi32, #tpu.memory_space<vmem>> -> memref<1x128xi32, #tpu.memory_space<vmem>>
          %dma_start3A_80 = tpu.memref_squeeze %dma_start3A_79 : memref<1x128xi32, #tpu.memory_space<vmem>> -> memref<128xi32, #tpu.memory_space<vmem>>
          %dma_start3A_81 = arith.constant 0 : i32
          %dma_start3A_82 = arith.constant 0 : i32
          %dma_start3A_83 = tpu.memref_slice %arg13[%dma_start3A_81, %dma_start3A_82] : memref<10112x128xf32, #tpu.memory_space<vmem_shared>> -> memref<10112x128xf32, #tpu.memory_space<vmem_shared>>
          tpu.enqueue_indirect_dma source(%arg11 : memref<128x128xf32, #tpu.memory_space<vmem>>) target(%dma_start3A_83 : memref<10112x128xf32, #tpu.memory_space<vmem_shared>>) offsets(%dma_start3A_80 : memref<128xi32, #tpu.memory_space<vmem>>) semaphore(%run_scoped3A_77 : memref<!tpu.dma_semaphore, #tpu.memory_space<semaphore_mem>>) {add = true}
          %dma_wait3A_84 = arith.constant 0 : i32
          %dma_wait3A_85 = tpu.memref_slice %arg10[%mul3A_50, %dma_wait3A_84] : memref<40x128xi32, #tpu.memory_space<vmem>> -> memref<1x128xi32, #tpu.memory_space<vmem>>
          %dma_wait3A_86 = tpu.memref_squeeze %dma_wait3A_85 : memref<1x128xi32, #tpu.memory_space<vmem>> -> memref<128xi32, #tpu.memory_space<vmem>>
          %dma_wait3A_87 = arith.constant 0 : i32
          %dma_wait3A_88 = arith.constant 0 : i32
          %dma_wait3A_89 = tpu.memref_slice %arg13[%dma_wait3A_87, %dma_wait3A_88] : memref<10112x128xf32, #tpu.memory_space<vmem_shared>> -> memref<10112x128xf32, #tpu.memory_space<vmem_shared>>
          tpu.wait_indirect_dma semaphore(%run_scoped3A_77 : memref<!tpu.dma_semaphore, #tpu.memory_space<semaphore_mem>>) src(%arg11 : memref<128x128xf32, #tpu.memory_space<vmem>>) dst(%dma_wait3A_89 : memref<10112x128xf32, #tpu.memory_space<vmem_shared>>)
          tpu.yield
        }) : () -> ()
        %add3A_63 = arith.constant 1 : i32
        %add3A_64 = arith.addi %mul3A_50, %add3A_63 : i32
        %dma_wait3A_65 = arith.constant 0 : i32
        %dma_wait3A_66 = tpu.memref_slice %arg9[%add3A_64, %dma_wait3A_65] : memref<40x128xi32, #tpu.memory_space<vmem>> -> memref<1x128xi32, #tpu.memory_space<vmem>>
        %dma_wait3A_67 = tpu.memref_squeeze %dma_wait3A_66 : memref<1x128xi32, #tpu.memory_space<vmem>> -> memref<128xi32, #tpu.memory_space<vmem>>
        %dma_wait3A_68 = arith.constant 0 : i32
        %dma_wait3A_69 = arith.constant 0 : i32
        %dma_wait3A_70 = tpu.memref_slice %arg2[%dma_wait3A_68, %dma_wait3A_69] : memref<10000x128xf32, #tpu.memory_space<hbm>> -> memref<10000x128xf32, #tpu.memory_space<hbm>>
        tpu.wait_indirect_dma semaphore(%arg15 : memref<!tpu.dma_semaphore, #tpu.memory_space<semaphore_mem>>) src(%dma_wait3A_70 : memref<10000x128xf32, #tpu.memory_space<hbm>>) dst(%arg12 : memref<128x128xf32, #tpu.memory_space<vmem>>)
        %lt3A = arith.constant 19 : i32
        %lt3A_71 = arith.cmpi slt, %scan3A_48, %lt3A : i32
        %convert_element_type3A_72 = arith.extui %lt3A_71 : i1 to i32
        %cond3A_73 = arith.constant 0 : i32
        %cond3A_74 = arith.cmpi ne, %convert_element_type3A_72, %cond3A_73 : i32
        scf.if %cond3A_74 {
          %add3A_77 = arith.constant 2 : i32
          %add3A_78 = arith.addi %mul3A_50, %add3A_77 : i32
          %dma_start3A_79 = arith.constant 0 : i32
          %dma_start3A_80 = tpu.memref_slice %arg9[%add3A_78, %dma_start3A_79] : memref<40x128xi32, #tpu.memory_space<vmem>> -> memref<1x128xi32, #tpu.memory_space<vmem>>
          %dma_start3A_81 = tpu.memref_squeeze %dma_start3A_80 : memref<1x128xi32, #tpu.memory_space<vmem>> -> memref<128xi32, #tpu.memory_space<vmem>>
          %dma_start3A_82 = arith.constant 0 : i32
          %dma_start3A_83 = arith.constant 0 : i32
          %dma_start3A_84 = tpu.memref_slice %arg2[%dma_start3A_82, %dma_start3A_83] : memref<10000x128xf32, #tpu.memory_space<hbm>> -> memref<10000x128xf32, #tpu.memory_space<hbm>>
          tpu.enqueue_indirect_dma source(%dma_start3A_84 : memref<10000x128xf32, #tpu.memory_space<hbm>>) target(%arg11 : memref<128x128xf32, #tpu.memory_space<vmem>>) offsets(%dma_start3A_81 : memref<128xi32, #tpu.memory_space<vmem>>) semaphore(%arg14 : memref<!tpu.dma_semaphore, #tpu.memory_space<semaphore_mem>>)
        } else {
        }
        %add3A_75 = arith.constant 1 : i32
        %add3A_76 = arith.addi %mul3A_50, %add3A_75 : i32
        "tpu.region"() ({
          %run_scoped3A_77 = tpu.sem_alloc : memref<!tpu.dma_semaphore, #tpu.memory_space<semaphore_mem>>
          %dma_start3A_78 = arith.constant 0 : i32
          %dma_start3A_79 = tpu.memref_slice %arg10[%add3A_76, %dma_start3A_78] : memref<40x128xi32, #tpu.memory_space<vmem>> -> memref<1x128xi32, #tpu.memory_space<vmem>>
          %dma_start3A_80 = tpu.memref_squeeze %dma_start3A_79 : memref<1x128xi32, #tpu.memory_space<vmem>> -> memref<128xi32, #tpu.memory_space<vmem>>
          %dma_start3A_81 = arith.constant 0 : i32
          %dma_start3A_82 = arith.constant 0 : i32
          %dma_start3A_83 = tpu.memref_slice %arg13[%dma_start3A_81, %dma_start3A_82] : memref<10112x128xf32, #tpu.memory_space<vmem_shared>> -> memref<10112x128xf32, #tpu.memory_space<vmem_shared>>
          tpu.enqueue_indirect_dma source(%arg12 : memref<128x128xf32, #tpu.memory_space<vmem>>) target(%dma_start3A_83 : memref<10112x128xf32, #tpu.memory_space<vmem_shared>>) offsets(%dma_start3A_80 : memref<128xi32, #tpu.memory_space<vmem>>) semaphore(%run_scoped3A_77 : memref<!tpu.dma_semaphore, #tpu.memory_space<semaphore_mem>>) {add = true}
          %dma_wait3A_84 = arith.constant 0 : i32
          %dma_wait3A_85 = tpu.memref_slice %arg10[%add3A_76, %dma_wait3A_84] : memref<40x128xi32, #tpu.memory_space<vmem>> -> memref<1x128xi32, #tpu.memory_space<vmem>>
          %dma_wait3A_86 = tpu.memref_squeeze %dma_wait3A_85 : memref<1x128xi32, #tpu.memory_space<vmem>> -> memref<128xi32, #tpu.memory_space<vmem>>
          %dma_wait3A_87 = arith.constant 0 : i32
          %dma_wait3A_88 = arith.constant 0 : i32
          %dma_wait3A_89 = tpu.memref_slice %arg13[%dma_wait3A_87, %dma_wait3A_88] : memref<10112x128xf32, #tpu.memory_space<vmem_shared>> -> memref<10112x128xf32, #tpu.memory_space<vmem_shared>>
          tpu.wait_indirect_dma semaphore(%run_scoped3A_77 : memref<!tpu.dma_semaphore, #tpu.memory_space<semaphore_mem>>) src(%arg12 : memref<128x128xf32, #tpu.memory_space<vmem>>) dst(%dma_wait3A_89 : memref<10112x128xf32, #tpu.memory_space<vmem_shared>>)
          tpu.yield
        }) : () -> ()
      }
      %scan3A_32 = arith.constant 20 : i32
      %run_scoped3A_33 = arith.constant 1 : i32
      "tpu.region"() ({
        %run_scoped3A_48 = tpu.sem_alloc : memref<!tpu.dma_semaphore, #tpu.memory_space<semaphore_mem>>
        %dma_start3A_49 = arith.constant 0 : i32
        %dma_start3A_50 = arith.constant 0 : i32
        %dma_start3A_51 = tpu.memref_slice %arg4[%arg1, %run_scoped3A_33, %dma_start3A_49, %dma_start3A_50] : memref<16x2x40x128xi32, #tpu.memory_space<hbm>> -> memref<1x1x40x128xi32, #tpu.memory_space<hbm>>
        %dma_start3A_52 = tpu.memref_squeeze %dma_start3A_51 : memref<1x1x40x128xi32, #tpu.memory_space<hbm>> -> memref<40x128xi32, #tpu.memory_space<hbm>>
        %dma_start3A_53 = arith.constant 0 : i32
        %dma_start3A_54 = arith.constant 0 : i32
        %dma_start3A_55 = tpu.memref_slice %arg4[%arg1, %run_scoped3A_33, %dma_start3A_53, %dma_start3A_54] : memref<16x2x40x128xi32, #tpu.memory_space<hbm>> -> memref<1x1x40x128xi32, #tpu.memory_space<hbm>>
        %dma_start3A_56 = tpu.memref_squeeze %dma_start3A_55 : memref<1x1x40x128xi32, #tpu.memory_space<hbm>> -> memref<40x128xi32, #tpu.memory_space<hbm>>
        tpu.enqueue_dma source(%dma_start3A_56 : memref<40x128xi32, #tpu.memory_space<hbm>>) target(%arg9 : memref<40x128xi32, #tpu.memory_space<vmem>>) target_semaphore(%run_scoped3A_48 : memref<!tpu.dma_semaphore, #tpu.memory_space<semaphore_mem>>)
        %dma_wait3A = arith.constant 0 : i32
        %dma_wait3A_57 = arith.constant 0 : i32
        %dma_wait3A_58 = tpu.memref_slice %arg4[%arg1, %run_scoped3A_33, %dma_wait3A, %dma_wait3A_57] : memref<16x2x40x128xi32, #tpu.memory_space<hbm>> -> memref<1x1x40x128xi32, #tpu.memory_space<hbm>>
        %dma_wait3A_59 = tpu.memref_squeeze %dma_wait3A_58 : memref<1x1x40x128xi32, #tpu.memory_space<hbm>> -> memref<40x128xi32, #tpu.memory_space<hbm>>
        %dma_wait3A_60 = arith.constant 0 : i32
        %dma_wait3A_61 = arith.constant 0 : i32
        %dma_wait3A_62 = tpu.memref_slice %arg4[%arg1, %run_scoped3A_33, %dma_wait3A_60, %dma_wait3A_61] : memref<16x2x40x128xi32, #tpu.memory_space<hbm>> -> memref<1x1x40x128xi32, #tpu.memory_space<hbm>>
        %dma_wait3A_63 = tpu.memref_squeeze %dma_wait3A_62 : memref<1x1x40x128xi32, #tpu.memory_space<hbm>> -> memref<40x128xi32, #tpu.memory_space<hbm>>
        tpu.wait_dma2 semaphore(%run_scoped3A_48 : memref<!tpu.dma_semaphore, #tpu.memory_space<semaphore_mem>>) src(%dma_wait3A_63 : memref<40x128xi32, #tpu.memory_space<hbm>>) dst(%arg9 : memref<40x128xi32, #tpu.memory_space<vmem>>)
        tpu.yield
      }) : () -> ()
      %run_scoped3A_34 = arith.constant 1 : i32
      "tpu.region"() ({
        %run_scoped3A_48 = tpu.sem_alloc : memref<!tpu.dma_semaphore, #tpu.memory_space<semaphore_mem>>
        %dma_start3A_49 = arith.constant 0 : i32
        %dma_start3A_50 = arith.constant 0 : i32
        %dma_start3A_51 = tpu.memref_slice %arg5[%arg1, %run_scoped3A_34, %dma_start3A_49, %dma_start3A_50] : memref<16x2x40x128xi32, #tpu.memory_space<hbm>> -> memref<1x1x40x128xi32, #tpu.memory_space<hbm>>
        %dma_start3A_52 = tpu.memref_squeeze %dma_start3A_51 : memref<1x1x40x128xi32, #tpu.memory_space<hbm>> -> memref<40x128xi32, #tpu.memory_space<hbm>>
        %dma_start3A_53 = arith.constant 0 : i32
        %dma_start3A_54 = arith.constant 0 : i32
        %dma_start3A_55 = tpu.memref_slice %arg5[%arg1, %run_scoped3A_34, %dma_start3A_53, %dma_start3A_54] : memref<16x2x40x128xi32, #tpu.memory_space<hbm>> -> memref<1x1x40x128xi32, #tpu.memory_space<hbm>>
        %dma_start3A_56 = tpu.memref_squeeze %dma_start3A_55 : memref<1x1x40x128xi32, #tpu.memory_space<hbm>> -> memref<40x128xi32, #tpu.memory_space<hbm>>
        tpu.enqueue_dma source(%dma_start3A_56 : memref<40x128xi32, #tpu.memory_space<hbm>>) target(%arg10 : memref<40x128xi32, #tpu.memory_space<vmem>>) target_semaphore(%run_scoped3A_48 : memref<!tpu.dma_semaphore, #tpu.memory_space<semaphore_mem>>)
        %dma_wait3A = arith.constant 0 : i32
        %dma_wait3A_57 = arith.constant 0 : i32
        %dma_wait3A_58 = tpu.memref_slice %arg5[%arg1, %run_scoped3A_34, %dma_wait3A, %dma_wait3A_57] : memref<16x2x40x128xi32, #tpu.memory_space<hbm>> -> memref<1x1x40x128xi32, #tpu.memory_space<hbm>>
        %dma_wait3A_59 = tpu.memref_squeeze %dma_wait3A_58 : memref<1x1x40x128xi32, #tpu.memory_space<hbm>> -> memref<40x128xi32, #tpu.memory_space<hbm>>
        %dma_wait3A_60 = arith.constant 0 : i32
        %dma_wait3A_61 = arith.constant 0 : i32
        %dma_wait3A_62 = tpu.memref_slice %arg5[%arg1, %run_scoped3A_34, %dma_wait3A_60, %dma_wait3A_61] : memref<16x2x40x128xi32, #tpu.memory_space<hbm>> -> memref<1x1x40x128xi32, #tpu.memory_space<hbm>>
        %dma_wait3A_63 = tpu.memref_squeeze %dma_wait3A_62 : memref<1x1x40x128xi32, #tpu.memory_space<hbm>> -> memref<40x128xi32, #tpu.memory_space<hbm>>
        tpu.wait_dma2 semaphore(%run_scoped3A_48 : memref<!tpu.dma_semaphore, #tpu.memory_space<semaphore_mem>>) src(%dma_wait3A_63 : memref<40x128xi32, #tpu.memory_space<hbm>>) dst(%arg10 : memref<40x128xi32, #tpu.memory_space<vmem>>)
        tpu.yield
      }) : () -> ()
      %dma_start3A_35 = arith.constant 0 : i32
      %dma_start3A_36 = arith.constant 0 : i32
      %dma_start3A_37 = tpu.memref_slice %arg9[%dma_start3A_35, %dma_start3A_36] : memref<40x128xi32, #tpu.memory_space<vmem>> -> memref<1x128xi32, #tpu.memory_space<vmem>>
      %dma_start3A_38 = tpu.memref_squeeze %dma_start3A_37 : memref<1x128xi32, #tpu.memory_space<vmem>> -> memref<128xi32, #tpu.memory_space<vmem>>
      %dma_start3A_39 = arith.constant 0 : i32
      %dma_start3A_40 = arith.constant 0 : i32
      %dma_start3A_41 = tpu.memref_slice %arg2[%dma_start3A_39, %dma_start3A_40] : memref<10000x128xf32, #tpu.memory_space<hbm>> -> memref<10000x128xf32, #tpu.memory_space<hbm>>
      tpu.enqueue_indirect_dma source(%dma_start3A_41 : memref<10000x128xf32, #tpu.memory_space<hbm>>) target(%arg11 : memref<128x128xf32, #tpu.memory_space<vmem>>) offsets(%dma_start3A_38 : memref<128xi32, #tpu.memory_space<vmem>>) semaphore(%arg14 : memref<!tpu.dma_semaphore, #tpu.memory_space<semaphore_mem>>)
      %scan3A_42 = arith.constant 0 : i32
      %scan3A_43 = arith.constant 0 : i32
      %scan3A_44 = arith.constant 20 : i32
      %scan3A_45 = arith.addi %scan3A_43, %scan3A_44 : i32
      %scan3A_46 = arith.constant 1 : i32
      scf.for %scan3A_48 = %scan3A_43 to %scan3A_45 step %scan3A_46  : i32 {
        %mul3A_49 = arith.constant 2 : i32
        %mul3A_50 = arith.muli %mul3A_49, %scan3A_48 : i32
        %dma_wait3A = arith.constant 0 : i32
        %dma_wait3A_51 = tpu.memref_slice %arg9[%mul3A_50, %dma_wait3A] : memref<40x128xi32, #tpu.memory_space<vmem>> -> memref<1x128xi32, #tpu.memory_space<vmem>>
        %dma_wait3A_52 = tpu.memref_squeeze %dma_wait3A_51 : memref<1x128xi32, #tpu.memory_space<vmem>> -> memref<128xi32, #tpu.memory_space<vmem>>
        %dma_wait3A_53 = arith.constant 0 : i32
        %dma_wait3A_54 = arith.constant 0 : i32
        %dma_wait3A_55 = tpu.memref_slice %arg2[%dma_wait3A_53, %dma_wait3A_54] : memref<10000x128xf32, #tpu.memory_space<hbm>> -> memref<10000x128xf32, #tpu.memory_space<hbm>>
        tpu.wait_indirect_dma semaphore(%arg14 : memref<!tpu.dma_semaphore, #tpu.memory_space<semaphore_mem>>) src(%dma_wait3A_55 : memref<10000x128xf32, #tpu.memory_space<hbm>>) dst(%arg11 : memref<128x128xf32, #tpu.memory_space<vmem>>)
        %add3A = arith.constant 1 : i32
        %add3A_56 = arith.addi %mul3A_50, %add3A : i32
        %dma_start3A_57 = arith.constant 0 : i32
        %dma_start3A_58 = tpu.memref_slice %arg9[%add3A_56, %dma_start3A_57] : memref<40x128xi32, #tpu.memory_space<vmem>> -> memref<1x128xi32, #tpu.memory_space<vmem>>
        %dma_start3A_59 = tpu.memref_squeeze %dma_start3A_58 : memref<1x128xi32, #tpu.memory_space<vmem>> -> memref<128xi32, #tpu.memory_space<vmem>>
        %dma_start3A_60 = arith.constant 0 : i32
        %dma_start3A_61 = arith.constant 0 : i32
        %dma_start3A_62 = tpu.memref_slice %arg2[%dma_start3A_60, %dma_start3A_61] : memref<10000x128xf32, #tpu.memory_space<hbm>> -> memref<10000x128xf32, #tpu.memory_space<hbm>>
        tpu.enqueue_indirect_dma source(%dma_start3A_62 : memref<10000x128xf32, #tpu.memory_space<hbm>>) target(%arg12 : memref<128x128xf32, #tpu.memory_space<vmem>>) offsets(%dma_start3A_59 : memref<128xi32, #tpu.memory_space<vmem>>) semaphore(%arg15 : memref<!tpu.dma_semaphore, #tpu.memory_space<semaphore_mem>>)
        "tpu.region"() ({
          %run_scoped3A_77 = tpu.sem_alloc : memref<!tpu.dma_semaphore, #tpu.memory_space<semaphore_mem>>
          %dma_start3A_78 = arith.constant 0 : i32
          %dma_start3A_79 = tpu.memref_slice %arg10[%mul3A_50, %dma_start3A_78] : memref<40x128xi32, #tpu.memory_space<vmem>> -> memref<1x128xi32, #tpu.memory_space<vmem>>
          %dma_start3A_80 = tpu.memref_squeeze %dma_start3A_79 : memref<1x128xi32, #tpu.memory_space<vmem>> -> memref<128xi32, #tpu.memory_space<vmem>>
          %dma_start3A_81 = arith.constant 0 : i32
          %dma_start3A_82 = arith.constant 0 : i32
          %dma_start3A_83 = tpu.memref_slice %arg13[%dma_start3A_81, %dma_start3A_82] : memref<10112x128xf32, #tpu.memory_space<vmem_shared>> -> memref<10112x128xf32, #tpu.memory_space<vmem_shared>>
          tpu.enqueue_indirect_dma source(%arg11 : memref<128x128xf32, #tpu.memory_space<vmem>>) target(%dma_start3A_83 : memref<10112x128xf32, #tpu.memory_space<vmem_shared>>) offsets(%dma_start3A_80 : memref<128xi32, #tpu.memory_space<vmem>>) semaphore(%run_scoped3A_77 : memref<!tpu.dma_semaphore, #tpu.memory_space<semaphore_mem>>) {add = true}
          %dma_wait3A_84 = arith.constant 0 : i32
          %dma_wait3A_85 = tpu.memref_slice %arg10[%mul3A_50, %dma_wait3A_84] : memref<40x128xi32, #tpu.memory_space<vmem>> -> memref<1x128xi32, #tpu.memory_space<vmem>>
          %dma_wait3A_86 = tpu.memref_squeeze %dma_wait3A_85 : memref<1x128xi32, #tpu.memory_space<vmem>> -> memref<128xi32, #tpu.memory_space<vmem>>
          %dma_wait3A_87 = arith.constant 0 : i32
          %dma_wait3A_88 = arith.constant 0 : i32
          %dma_wait3A_89 = tpu.memref_slice %arg13[%dma_wait3A_87, %dma_wait3A_88] : memref<10112x128xf32, #tpu.memory_space<vmem_shared>> -> memref<10112x128xf32, #tpu.memory_space<vmem_shared>>
          tpu.wait_indirect_dma semaphore(%run_scoped3A_77 : memref<!tpu.dma_semaphore, #tpu.memory_space<semaphore_mem>>) src(%arg11 : memref<128x128xf32, #tpu.memory_space<vmem>>) dst(%dma_wait3A_89 : memref<10112x128xf32, #tpu.memory_space<vmem_shared>>)
          tpu.yield
        }) : () -> ()
        %add3A_63 = arith.constant 1 : i32
        %add3A_64 = arith.addi %mul3A_50, %add3A_63 : i32
        %dma_wait3A_65 = arith.constant 0 : i32
        %dma_wait3A_66 = tpu.memref_slice %arg9[%add3A_64, %dma_wait3A_65] : memref<40x128xi32, #tpu.memory_space<vmem>> -> memref<1x128xi32, #tpu.memory_space<vmem>>
        %dma_wait3A_67 = tpu.memref_squeeze %dma_wait3A_66 : memref<1x128xi32, #tpu.memory_space<vmem>> -> memref<128xi32, #tpu.memory_space<vmem>>
        %dma_wait3A_68 = arith.constant 0 : i32
        %dma_wait3A_69 = arith.constant 0 : i32
        %dma_wait3A_70 = tpu.memref_slice %arg2[%dma_wait3A_68, %dma_wait3A_69] : memref<10000x128xf32, #tpu.memory_space<hbm>> -> memref<10000x128xf32, #tpu.memory_space<hbm>>
        tpu.wait_indirect_dma semaphore(%arg15 : memref<!tpu.dma_semaphore, #tpu.memory_space<semaphore_mem>>) src(%dma_wait3A_70 : memref<10000x128xf32, #tpu.memory_space<hbm>>) dst(%arg12 : memref<128x128xf32, #tpu.memory_space<vmem>>)
        %lt3A = arith.constant 19 : i32
        %lt3A_71 = arith.cmpi slt, %scan3A_48, %lt3A : i32
        %convert_element_type3A_72 = arith.extui %lt3A_71 : i1 to i32
        %cond3A_73 = arith.constant 0 : i32
        %cond3A_74 = arith.cmpi ne, %convert_element_type3A_72, %cond3A_73 : i32
        scf.if %cond3A_74 {
          %add3A_77 = arith.constant 2 : i32
          %add3A_78 = arith.addi %mul3A_50, %add3A_77 : i32
          %dma_start3A_79 = arith.constant 0 : i32
          %dma_start3A_80 = tpu.memref_slice %arg9[%add3A_78, %dma_start3A_79] : memref<40x128xi32, #tpu.memory_space<vmem>> -> memref<1x128xi32, #tpu.memory_space<vmem>>
          %dma_start3A_81 = tpu.memref_squeeze %dma_start3A_80 : memref<1x128xi32, #tpu.memory_space<vmem>> -> memref<128xi32, #tpu.memory_space<vmem>>
          %dma_start3A_82 = arith.constant 0 : i32
          %dma_start3A_83 = arith.constant 0 : i32
          %dma_start3A_84 = tpu.memref_slice %arg2[%dma_start3A_82, %dma_start3A_83] : memref<10000x128xf32, #tpu.memory_space<hbm>> -> memref<10000x128xf32, #tpu.memory_space<hbm>>
          tpu.enqueue_indirect_dma source(%dma_start3A_84 : memref<10000x128xf32, #tpu.memory_space<hbm>>) target(%arg11 : memref<128x128xf32, #tpu.memory_space<vmem>>) offsets(%dma_start3A_81 : memref<128xi32, #tpu.memory_space<vmem>>) semaphore(%arg14 : memref<!tpu.dma_semaphore, #tpu.memory_space<semaphore_mem>>)
        } else {
        }
        %add3A_75 = arith.constant 1 : i32
        %add3A_76 = arith.addi %mul3A_50, %add3A_75 : i32
        "tpu.region"() ({
          %run_scoped3A_77 = tpu.sem_alloc : memref<!tpu.dma_semaphore, #tpu.memory_space<semaphore_mem>>
          %dma_start3A_78 = arith.constant 0 : i32
          %dma_start3A_79 = tpu.memref_slice %arg10[%add3A_76, %dma_start3A_78] : memref<40x128xi32, #tpu.memory_space<vmem>> -> memref<1x128xi32, #tpu.memory_space<vmem>>
          %dma_start3A_80 = tpu.memref_squeeze %dma_start3A_79 : memref<1x128xi32, #tpu.memory_space<vmem>> -> memref<128xi32, #tpu.memory_space<vmem>>
          %dma_start3A_81 = arith.constant 0 : i32
          %dma_start3A_82 = arith.constant 0 : i32
          %dma_start3A_83 = tpu.memref_slice %arg13[%dma_start3A_81, %dma_start3A_82] : memref<10112x128xf32, #tpu.memory_space<vmem_shared>> -> memref<10112x128xf32, #tpu.memory_space<vmem_shared>>
          tpu.enqueue_indirect_dma source(%arg12 : memref<128x128xf32, #tpu.memory_space<vmem>>) target(%dma_start3A_83 : memref<10112x128xf32, #tpu.memory_space<vmem_shared>>) offsets(%dma_start3A_80 : memref<128xi32, #tpu.memory_space<vmem>>) semaphore(%run_scoped3A_77 : memref<!tpu.dma_semaphore, #tpu.memory_space<semaphore_mem>>) {add = true}
          %dma_wait3A_84 = arith.constant 0 : i32
          %dma_wait3A_85 = tpu.memref_slice %arg10[%add3A_76, %dma_wait3A_84] : memref<40x128xi32, #tpu.memory_space<vmem>> -> memref<1x128xi32, #tpu.memory_space<vmem>>
          %dma_wait3A_86 = tpu.memref_squeeze %dma_wait3A_85 : memref<1x128xi32, #tpu.memory_space<vmem>> -> memref<128xi32, #tpu.memory_space<vmem>>
          %dma_wait3A_87 = arith.constant 0 : i32
          %dma_wait3A_88 = arith.constant 0 : i32
          %dma_wait3A_89 = tpu.memref_slice %arg13[%dma_wait3A_87, %dma_wait3A_88] : memref<10112x128xf32, #tpu.memory_space<vmem_shared>> -> memref<10112x128xf32, #tpu.memory_space<vmem_shared>>
          tpu.wait_indirect_dma semaphore(%run_scoped3A_77 : memref<!tpu.dma_semaphore, #tpu.memory_space<semaphore_mem>>) src(%arg12 : memref<128x128xf32, #tpu.memory_space<vmem>>) dst(%dma_wait3A_89 : memref<10112x128xf32, #tpu.memory_space<vmem_shared>>)
          tpu.yield
        }) : () -> ()
      }
      %scan3A_47 = arith.constant 20 : i32
    } else {
    }
    %eq3A_5 = arith.constant 1 : i32
    %eq3A_6 = arith.cmpi eq, %arg0, %eq3A_5 : i32
    %convert_element_type3A_7 = arith.extui %eq3A_6 : i1 to i32
    %cond3A_8 = arith.constant 0 : i32
    %cond3A_9 = arith.cmpi ne, %convert_element_type3A_7, %cond3A_8 : i32
    scf.if %cond3A_9 {
      %run_scoped3A = arith.constant 0 : i32
      "tpu.region"() ({
        %run_scoped3A_48 = tpu.sem_alloc : memref<!tpu.dma_semaphore, #tpu.memory_space<semaphore_mem>>
        %dma_start3A_49 = arith.constant 0 : i32
        %dma_start3A_50 = arith.constant 0 : i32
        %dma_start3A_51 = tpu.memref_slice %arg4[%arg1, %run_scoped3A, %dma_start3A_49, %dma_start3A_50] : memref<16x2x40x128xi32, #tpu.memory_space<hbm>> -> memref<1x1x40x128xi32, #tpu.memory_space<hbm>>
        %dma_start3A_52 = tpu.memref_squeeze %dma_start3A_51 : memref<1x1x40x128xi32, #tpu.memory_space<hbm>> -> memref<40x128xi32, #tpu.memory_space<hbm>>
        %dma_start3A_53 = arith.constant 0 : i32
        %dma_start3A_54 = arith.constant 0 : i32
        %dma_start3A_55 = tpu.memref_slice %arg4[%arg1, %run_scoped3A, %dma_start3A_53, %dma_start3A_54] : memref<16x2x40x128xi32, #tpu.memory_space<hbm>> -> memref<1x1x40x128xi32, #tpu.memory_space<hbm>>
        %dma_start3A_56 = tpu.memref_squeeze %dma_start3A_55 : memref<1x1x40x128xi32, #tpu.memory_space<hbm>> -> memref<40x128xi32, #tpu.memory_space<hbm>>
        tpu.enqueue_dma source(%dma_start3A_56 : memref<40x128xi32, #tpu.memory_space<hbm>>) target(%arg9 : memref<40x128xi32, #tpu.memory_space<vmem>>) target_semaphore(%run_scoped3A_48 : memref<!tpu.dma_semaphore, #tpu.memory_space<semaphore_mem>>)
        %dma_wait3A = arith.constant 0 : i32
        %dma_wait3A_57 = arith.constant 0 : i32
        %dma_wait3A_58 = tpu.memref_slice %arg4[%arg1, %run_scoped3A, %dma_wait3A, %dma_wait3A_57] : memref<16x2x40x128xi32, #tpu.memory_space<hbm>> -> memref<1x1x40x128xi32, #tpu.memory_space<hbm>>
        %dma_wait3A_59 = tpu.memref_squeeze %dma_wait3A_58 : memref<1x1x40x128xi32, #tpu.memory_space<hbm>> -> memref<40x128xi32, #tpu.memory_space<hbm>>
        %dma_wait3A_60 = arith.constant 0 : i32
        %dma_wait3A_61 = arith.constant 0 : i32
        %dma_wait3A_62 = tpu.memref_slice %arg4[%arg1, %run_scoped3A, %dma_wait3A_60, %dma_wait3A_61] : memref<16x2x40x128xi32, #tpu.memory_space<hbm>> -> memref<1x1x40x128xi32, #tpu.memory_space<hbm>>
        %dma_wait3A_63 = tpu.memref_squeeze %dma_wait3A_62 : memref<1x1x40x128xi32, #tpu.memory_space<hbm>> -> memref<40x128xi32, #tpu.memory_space<hbm>>
        tpu.wait_dma2 semaphore(%run_scoped3A_48 : memref<!tpu.dma_semaphore, #tpu.memory_space<semaphore_mem>>) src(%dma_wait3A_63 : memref<40x128xi32, #tpu.memory_space<hbm>>) dst(%arg9 : memref<40x128xi32, #tpu.memory_space<vmem>>)
        tpu.yield
      }) : () -> ()
      %run_scoped3A_21 = arith.constant 0 : i32
      "tpu.region"() ({
        %run_scoped3A_48 = tpu.sem_alloc : memref<!tpu.dma_semaphore, #tpu.memory_space<semaphore_mem>>
        %dma_start3A_49 = arith.constant 0 : i32
        %dma_start3A_50 = arith.constant 0 : i32
        %dma_start3A_51 = tpu.memref_slice %arg5[%arg1, %run_scoped3A_21, %dma_start3A_49, %dma_start3A_50] : memref<16x2x40x128xi32, #tpu.memory_space<hbm>> -> memref<1x1x40x128xi32, #tpu.memory_space<hbm>>
        %dma_start3A_52 = tpu.memref_squeeze %dma_start3A_51 : memref<1x1x40x128xi32, #tpu.memory_space<hbm>> -> memref<40x128xi32, #tpu.memory_space<hbm>>
        %dma_start3A_53 = arith.constant 0 : i32
        %dma_start3A_54 = arith.constant 0 : i32
        %dma_start3A_55 = tpu.memref_slice %arg5[%arg1, %run_scoped3A_21, %dma_start3A_53, %dma_start3A_54] : memref<16x2x40x128xi32, #tpu.memory_space<hbm>> -> memref<1x1x40x128xi32, #tpu.memory_space<hbm>>
        %dma_start3A_56 = tpu.memref_squeeze %dma_start3A_55 : memref<1x1x40x128xi32, #tpu.memory_space<hbm>> -> memref<40x128xi32, #tpu.memory_space<hbm>>
        tpu.enqueue_dma source(%dma_start3A_56 : memref<40x128xi32, #tpu.memory_space<hbm>>) target(%arg10 : memref<40x128xi32, #tpu.memory_space<vmem>>) target_semaphore(%run_scoped3A_48 : memref<!tpu.dma_semaphore, #tpu.memory_space<semaphore_mem>>)
        %dma_wait3A = arith.constant 0 : i32
        %dma_wait3A_57 = arith.constant 0 : i32
        %dma_wait3A_58 = tpu.memref_slice %arg5[%arg1, %run_scoped3A_21, %dma_wait3A, %dma_wait3A_57] : memref<16x2x40x128xi32, #tpu.memory_space<hbm>> -> memref<1x1x40x128xi32, #tpu.memory_space<hbm>>
        %dma_wait3A_59 = tpu.memref_squeeze %dma_wait3A_58 : memref<1x1x40x128xi32, #tpu.memory_space<hbm>> -> memref<40x128xi32, #tpu.memory_space<hbm>>
        %dma_wait3A_60 = arith.constant 0 : i32
        %dma_wait3A_61 = arith.constant 0 : i32
        %dma_wait3A_62 = tpu.memref_slice %arg5[%arg1, %run_scoped3A_21, %dma_wait3A_60, %dma_wait3A_61] : memref<16x2x40x128xi32, #tpu.memory_space<hbm>> -> memref<1x1x40x128xi32, #tpu.memory_space<hbm>>
        %dma_wait3A_63 = tpu.memref_squeeze %dma_wait3A_62 : memref<1x1x40x128xi32, #tpu.memory_space<hbm>> -> memref<40x128xi32, #tpu.memory_space<hbm>>
        tpu.wait_dma2 semaphore(%run_scoped3A_48 : memref<!tpu.dma_semaphore, #tpu.memory_space<semaphore_mem>>) src(%dma_wait3A_63 : memref<40x128xi32, #tpu.memory_space<hbm>>) dst(%arg10 : memref<40x128xi32, #tpu.memory_space<vmem>>)
        tpu.yield
      }) : () -> ()
      %dma_start3A = arith.constant 0 : i32
      %dma_start3A_22 = arith.constant 0 : i32
      %dma_start3A_23 = tpu.memref_slice %arg9[%dma_start3A, %dma_start3A_22] : memref<40x128xi32, #tpu.memory_space<vmem>> -> memref<1x128xi32, #tpu.memory_space<vmem>>
      %dma_start3A_24 = tpu.memref_squeeze %dma_start3A_23 : memref<1x128xi32, #tpu.memory_space<vmem>> -> memref<128xi32, #tpu.memory_space<vmem>>
      %dma_start3A_25 = arith.constant 0 : i32
      %dma_start3A_26 = arith.constant 0 : i32
      %dma_start3A_27 = tpu.memref_slice %arg3[%dma_start3A_25, %dma_start3A_26] : memref<10000x128xf32, #tpu.memory_space<hbm>> -> memref<10000x128xf32, #tpu.memory_space<hbm>>
      tpu.enqueue_indirect_dma source(%dma_start3A_27 : memref<10000x128xf32, #tpu.memory_space<hbm>>) target(%arg11 : memref<128x128xf32, #tpu.memory_space<vmem>>) offsets(%dma_start3A_24 : memref<128xi32, #tpu.memory_space<vmem>>) semaphore(%arg14 : memref<!tpu.dma_semaphore, #tpu.memory_space<semaphore_mem>>)
      %scan3A = arith.constant 0 : i32
      %scan3A_28 = arith.constant 0 : i32
      %scan3A_29 = arith.constant 20 : i32
      %scan3A_30 = arith.addi %scan3A_28, %scan3A_29 : i32
      %scan3A_31 = arith.constant 1 : i32
      scf.for %scan3A_48 = %scan3A_28 to %scan3A_30 step %scan3A_31  : i32 {
        %mul3A_49 = arith.constant 2 : i32
        %mul3A_50 = arith.muli %mul3A_49, %scan3A_48 : i32
        %dma_wait3A = arith.constant 0 : i32
        %dma_wait3A_51 = tpu.memref_slice %arg9[%mul3A_50, %dma_wait3A] : memref<40x128xi32, #tpu.memory_space<vmem>> -> memref<1x128xi32, #tpu.memory_space<vmem>>
        %dma_wait3A_52 = tpu.memref_squeeze %dma_wait3A_51 : memref<1x128xi32, #tpu.memory_space<vmem>> -> memref<128xi32, #tpu.memory_space<vmem>>
        %dma_wait3A_53 = arith.constant 0 : i32
        %dma_wait3A_54 = arith.constant 0 : i32
        %dma_wait3A_55 = tpu.memref_slice %arg3[%dma_wait3A_53, %dma_wait3A_54] : memref<10000x128xf32, #tpu.memory_space<hbm>> -> memref<10000x128xf32, #tpu.memory_space<hbm>>
        tpu.wait_indirect_dma semaphore(%arg14 : memref<!tpu.dma_semaphore, #tpu.memory_space<semaphore_mem>>) src(%dma_wait3A_55 : memref<10000x128xf32, #tpu.memory_space<hbm>>) dst(%arg11 : memref<128x128xf32, #tpu.memory_space<vmem>>)
        %add3A = arith.constant 1 : i32
        %add3A_56 = arith.addi %mul3A_50, %add3A : i32
        %dma_start3A_57 = arith.constant 0 : i32
        %dma_start3A_58 = tpu.memref_slice %arg9[%add3A_56, %dma_start3A_57] : memref<40x128xi32, #tpu.memory_space<vmem>> -> memref<1x128xi32, #tpu.memory_space<vmem>>
        %dma_start3A_59 = tpu.memref_squeeze %dma_start3A_58 : memref<1x128xi32, #tpu.memory_space<vmem>> -> memref<128xi32, #tpu.memory_space<vmem>>
        %dma_start3A_60 = arith.constant 0 : i32
        %dma_start3A_61 = arith.constant 0 : i32
        %dma_start3A_62 = tpu.memref_slice %arg3[%dma_start3A_60, %dma_start3A_61] : memref<10000x128xf32, #tpu.memory_space<hbm>> -> memref<10000x128xf32, #tpu.memory_space<hbm>>
        tpu.enqueue_indirect_dma source(%dma_start3A_62 : memref<10000x128xf32, #tpu.memory_space<hbm>>) target(%arg12 : memref<128x128xf32, #tpu.memory_space<vmem>>) offsets(%dma_start3A_59 : memref<128xi32, #tpu.memory_space<vmem>>) semaphore(%arg15 : memref<!tpu.dma_semaphore, #tpu.memory_space<semaphore_mem>>)
        "tpu.region"() ({
          %run_scoped3A_77 = tpu.sem_alloc : memref<!tpu.dma_semaphore, #tpu.memory_space<semaphore_mem>>
          %dma_start3A_78 = arith.constant 0 : i32
          %dma_start3A_79 = tpu.memref_slice %arg10[%mul3A_50, %dma_start3A_78] : memref<40x128xi32, #tpu.memory_space<vmem>> -> memref<1x128xi32, #tpu.memory_space<vmem>>
          %dma_start3A_80 = tpu.memref_squeeze %dma_start3A_79 : memref<1x128xi32, #tpu.memory_space<vmem>> -> memref<128xi32, #tpu.memory_space<vmem>>
          %dma_start3A_81 = arith.constant 0 : i32
          %dma_start3A_82 = arith.constant 0 : i32
          %dma_start3A_83 = tpu.memref_slice %arg13[%dma_start3A_81, %dma_start3A_82] : memref<10112x128xf32, #tpu.memory_space<vmem_shared>> -> memref<10112x128xf32, #tpu.memory_space<vmem_shared>>
          tpu.enqueue_indirect_dma source(%arg11 : memref<128x128xf32, #tpu.memory_space<vmem>>) target(%dma_start3A_83 : memref<10112x128xf32, #tpu.memory_space<vmem_shared>>) offsets(%dma_start3A_80 : memref<128xi32, #tpu.memory_space<vmem>>) semaphore(%run_scoped3A_77 : memref<!tpu.dma_semaphore, #tpu.memory_space<semaphore_mem>>) {add = true}
          %dma_wait3A_84 = arith.constant 0 : i32
          %dma_wait3A_85 = tpu.memref_slice %arg10[%mul3A_50, %dma_wait3A_84] : memref<40x128xi32, #tpu.memory_space<vmem>> -> memref<1x128xi32, #tpu.memory_space<vmem>>
          %dma_wait3A_86 = tpu.memref_squeeze %dma_wait3A_85 : memref<1x128xi32, #tpu.memory_space<vmem>> -> memref<128xi32, #tpu.memory_space<vmem>>
          %dma_wait3A_87 = arith.constant 0 : i32
          %dma_wait3A_88 = arith.constant 0 : i32
          %dma_wait3A_89 = tpu.memref_slice %arg13[%dma_wait3A_87, %dma_wait3A_88] : memref<10112x128xf32, #tpu.memory_space<vmem_shared>> -> memref<10112x128xf32, #tpu.memory_space<vmem_shared>>
          tpu.wait_indirect_dma semaphore(%run_scoped3A_77 : memref<!tpu.dma_semaphore, #tpu.memory_space<semaphore_mem>>) src(%arg11 : memref<128x128xf32, #tpu.memory_space<vmem>>) dst(%dma_wait3A_89 : memref<10112x128xf32, #tpu.memory_space<vmem_shared>>)
          tpu.yield
        }) : () -> ()
        %add3A_63 = arith.constant 1 : i32
        %add3A_64 = arith.addi %mul3A_50, %add3A_63 : i32
        %dma_wait3A_65 = arith.constant 0 : i32
        %dma_wait3A_66 = tpu.memref_slice %arg9[%add3A_64, %dma_wait3A_65] : memref<40x128xi32, #tpu.memory_space<vmem>> -> memref<1x128xi32, #tpu.memory_space<vmem>>
        %dma_wait3A_67 = tpu.memref_squeeze %dma_wait3A_66 : memref<1x128xi32, #tpu.memory_space<vmem>> -> memref<128xi32, #tpu.memory_space<vmem>>
        %dma_wait3A_68 = arith.constant 0 : i32
        %dma_wait3A_69 = arith.constant 0 : i32
        %dma_wait3A_70 = tpu.memref_slice %arg3[%dma_wait3A_68, %dma_wait3A_69] : memref<10000x128xf32, #tpu.memory_space<hbm>> -> memref<10000x128xf32, #tpu.memory_space<hbm>>
        tpu.wait_indirect_dma semaphore(%arg15 : memref<!tpu.dma_semaphore, #tpu.memory_space<semaphore_mem>>) src(%dma_wait3A_70 : memref<10000x128xf32, #tpu.memory_space<hbm>>) dst(%arg12 : memref<128x128xf32, #tpu.memory_space<vmem>>)
        %lt3A = arith.constant 19 : i32
        %lt3A_71 = arith.cmpi slt, %scan3A_48, %lt3A : i32
        %convert_element_type3A_72 = arith.extui %lt3A_71 : i1 to i32
        %cond3A_73 = arith.constant 0 : i32
        %cond3A_74 = arith.cmpi ne, %convert_element_type3A_72, %cond3A_73 : i32
        scf.if %cond3A_74 {
          %add3A_77 = arith.constant 2 : i32
          %add3A_78 = arith.addi %mul3A_50, %add3A_77 : i32
          %dma_start3A_79 = arith.constant 0 : i32
          %dma_start3A_80 = tpu.memref_slice %arg9[%add3A_78, %dma_start3A_79] : memref<40x128xi32, #tpu.memory_space<vmem>> -> memref<1x128xi32, #tpu.memory_space<vmem>>
          %dma_start3A_81 = tpu.memref_squeeze %dma_start3A_80 : memref<1x128xi32, #tpu.memory_space<vmem>> -> memref<128xi32, #tpu.memory_space<vmem>>
          %dma_start3A_82 = arith.constant 0 : i32
          %dma_start3A_83 = arith.constant 0 : i32
          %dma_start3A_84 = tpu.memref_slice %arg3[%dma_start3A_82, %dma_start3A_83] : memref<10000x128xf32, #tpu.memory_space<hbm>> -> memref<10000x128xf32, #tpu.memory_space<hbm>>
          tpu.enqueue_indirect_dma source(%dma_start3A_84 : memref<10000x128xf32, #tpu.memory_space<hbm>>) target(%arg11 : memref<128x128xf32, #tpu.memory_space<vmem>>) offsets(%dma_start3A_81 : memref<128xi32, #tpu.memory_space<vmem>>) semaphore(%arg14 : memref<!tpu.dma_semaphore, #tpu.memory_space<semaphore_mem>>)
        } else {
        }
        %add3A_75 = arith.constant 1 : i32
        %add3A_76 = arith.addi %mul3A_50, %add3A_75 : i32
        "tpu.region"() ({
          %run_scoped3A_77 = tpu.sem_alloc : memref<!tpu.dma_semaphore, #tpu.memory_space<semaphore_mem>>
          %dma_start3A_78 = arith.constant 0 : i32
          %dma_start3A_79 = tpu.memref_slice %arg10[%add3A_76, %dma_start3A_78] : memref<40x128xi32, #tpu.memory_space<vmem>> -> memref<1x128xi32, #tpu.memory_space<vmem>>
          %dma_start3A_80 = tpu.memref_squeeze %dma_start3A_79 : memref<1x128xi32, #tpu.memory_space<vmem>> -> memref<128xi32, #tpu.memory_space<vmem>>
          %dma_start3A_81 = arith.constant 0 : i32
          %dma_start3A_82 = arith.constant 0 : i32
          %dma_start3A_83 = tpu.memref_slice %arg13[%dma_start3A_81, %dma_start3A_82] : memref<10112x128xf32, #tpu.memory_space<vmem_shared>> -> memref<10112x128xf32, #tpu.memory_space<vmem_shared>>
          tpu.enqueue_indirect_dma source(%arg12 : memref<128x128xf32, #tpu.memory_space<vmem>>) target(%dma_start3A_83 : memref<10112x128xf32, #tpu.memory_space<vmem_shared>>) offsets(%dma_start3A_80 : memref<128xi32, #tpu.memory_space<vmem>>) semaphore(%run_scoped3A_77 : memref<!tpu.dma_semaphore, #tpu.memory_space<semaphore_mem>>) {add = true}
          %dma_wait3A_84 = arith.constant 0 : i32
          %dma_wait3A_85 = tpu.memref_slice %arg10[%add3A_76, %dma_wait3A_84] : memref<40x128xi32, #tpu.memory_space<vmem>> -> memref<1x128xi32, #tpu.memory_space<vmem>>
          %dma_wait3A_86 = tpu.memref_squeeze %dma_wait3A_85 : memref<1x128xi32, #tpu.memory_space<vmem>> -> memref<128xi32, #tpu.memory_space<vmem>>
          %dma_wait3A_87 = arith.constant 0 : i32
          %dma_wait3A_88 = arith.constant 0 : i32
          %dma_wait3A_89 = tpu.memref_slice %arg13[%dma_wait3A_87, %dma_wait3A_88] : memref<10112x128xf32, #tpu.memory_space<vmem_shared>> -> memref<10112x128xf32, #tpu.memory_space<vmem_shared>>
          tpu.wait_indirect_dma semaphore(%run_scoped3A_77 : memref<!tpu.dma_semaphore, #tpu.memory_space<semaphore_mem>>) src(%arg12 : memref<128x128xf32, #tpu.memory_space<vmem>>) dst(%dma_wait3A_89 : memref<10112x128xf32, #tpu.memory_space<vmem_shared>>)
          tpu.yield
        }) : () -> ()
      }
      %scan3A_32 = arith.constant 20 : i32
      %run_scoped3A_33 = arith.constant 1 : i32
      "tpu.region"() ({
        %run_scoped3A_48 = tpu.sem_alloc : memref<!tpu.dma_semaphore, #tpu.memory_space<semaphore_mem>>
        %dma_start3A_49 = arith.constant 0 : i32
        %dma_start3A_50 = arith.constant 0 : i32
        %dma_start3A_51 = tpu.memref_slice %arg4[%arg1, %run_scoped3A_33, %dma_start3A_49, %dma_start3A_50] : memref<16x2x40x128xi32, #tpu.memory_space<hbm>> -> memref<1x1x40x128xi32, #tpu.memory_space<hbm>>
        %dma_start3A_52 = tpu.memref_squeeze %dma_start3A_51 : memref<1x1x40x128xi32, #tpu.memory_space<hbm>> -> memref<40x128xi32, #tpu.memory_space<hbm>>
        %dma_start3A_53 = arith.constant 0 : i32
        %dma_start3A_54 = arith.constant 0 : i32
        %dma_start3A_55 = tpu.memref_slice %arg4[%arg1, %run_scoped3A_33, %dma_start3A_53, %dma_start3A_54] : memref<16x2x40x128xi32, #tpu.memory_space<hbm>> -> memref<1x1x40x128xi32, #tpu.memory_space<hbm>>
        %dma_start3A_56 = tpu.memref_squeeze %dma_start3A_55 : memref<1x1x40x128xi32, #tpu.memory_space<hbm>> -> memref<40x128xi32, #tpu.memory_space<hbm>>
        tpu.enqueue_dma source(%dma_start3A_56 : memref<40x128xi32, #tpu.memory_space<hbm>>) target(%arg9 : memref<40x128xi32, #tpu.memory_space<vmem>>) target_semaphore(%run_scoped3A_48 : memref<!tpu.dma_semaphore, #tpu.memory_space<semaphore_mem>>)
        %dma_wait3A = arith.constant 0 : i32
        %dma_wait3A_57 = arith.constant 0 : i32
        %dma_wait3A_58 = tpu.memref_slice %arg4[%arg1, %run_scoped3A_33, %dma_wait3A, %dma_wait3A_57] : memref<16x2x40x128xi32, #tpu.memory_space<hbm>> -> memref<1x1x40x128xi32, #tpu.memory_space<hbm>>
        %dma_wait3A_59 = tpu.memref_squeeze %dma_wait3A_58 : memref<1x1x40x128xi32, #tpu.memory_space<hbm>> -> memref<40x128xi32, #tpu.memory_space<hbm>>
        %dma_wait3A_60 = arith.constant 0 : i32
        %dma_wait3A_61 = arith.constant 0 : i32
        %dma_wait3A_62 = tpu.memref_slice %arg4[%arg1, %run_scoped3A_33, %dma_wait3A_60, %dma_wait3A_61] : memref<16x2x40x128xi32, #tpu.memory_space<hbm>> -> memref<1x1x40x128xi32, #tpu.memory_space<hbm>>
        %dma_wait3A_63 = tpu.memref_squeeze %dma_wait3A_62 : memref<1x1x40x128xi32, #tpu.memory_space<hbm>> -> memref<40x128xi32, #tpu.memory_space<hbm>>
        tpu.wait_dma2 semaphore(%run_scoped3A_48 : memref<!tpu.dma_semaphore, #tpu.memory_space<semaphore_mem>>) src(%dma_wait3A_63 : memref<40x128xi32, #tpu.memory_space<hbm>>) dst(%arg9 : memref<40x128xi32, #tpu.memory_space<vmem>>)
        tpu.yield
      }) : () -> ()
      %run_scoped3A_34 = arith.constant 1 : i32
      "tpu.region"() ({
        %run_scoped3A_48 = tpu.sem_alloc : memref<!tpu.dma_semaphore, #tpu.memory_space<semaphore_mem>>
        %dma_start3A_49 = arith.constant 0 : i32
        %dma_start3A_50 = arith.constant 0 : i32
        %dma_start3A_51 = tpu.memref_slice %arg5[%arg1, %run_scoped3A_34, %dma_start3A_49, %dma_start3A_50] : memref<16x2x40x128xi32, #tpu.memory_space<hbm>> -> memref<1x1x40x128xi32, #tpu.memory_space<hbm>>
        %dma_start3A_52 = tpu.memref_squeeze %dma_start3A_51 : memref<1x1x40x128xi32, #tpu.memory_space<hbm>> -> memref<40x128xi32, #tpu.memory_space<hbm>>
        %dma_start3A_53 = arith.constant 0 : i32
        %dma_start3A_54 = arith.constant 0 : i32
        %dma_start3A_55 = tpu.memref_slice %arg5[%arg1, %run_scoped3A_34, %dma_start3A_53, %dma_start3A_54] : memref<16x2x40x128xi32, #tpu.memory_space<hbm>> -> memref<1x1x40x128xi32, #tpu.memory_space<hbm>>
        %dma_start3A_56 = tpu.memref_squeeze %dma_start3A_55 : memref<1x1x40x128xi32, #tpu.memory_space<hbm>> -> memref<40x128xi32, #tpu.memory_space<hbm>>
        tpu.enqueue_dma source(%dma_start3A_56 : memref<40x128xi32, #tpu.memory_space<hbm>>) target(%arg10 : memref<40x128xi32, #tpu.memory_space<vmem>>) target_semaphore(%run_scoped3A_48 : memref<!tpu.dma_semaphore, #tpu.memory_space<semaphore_mem>>)
        %dma_wait3A = arith.constant 0 : i32
        %dma_wait3A_57 = arith.constant 0 : i32
        %dma_wait3A_58 = tpu.memref_slice %arg5[%arg1, %run_scoped3A_34, %dma_wait3A, %dma_wait3A_57] : memref<16x2x40x128xi32, #tpu.memory_space<hbm>> -> memref<1x1x40x128xi32, #tpu.memory_space<hbm>>
        %dma_wait3A_59 = tpu.memref_squeeze %dma_wait3A_58 : memref<1x1x40x128xi32, #tpu.memory_space<hbm>> -> memref<40x128xi32, #tpu.memory_space<hbm>>
        %dma_wait3A_60 = arith.constant 0 : i32
        %dma_wait3A_61 = arith.constant 0 : i32
        %dma_wait3A_62 = tpu.memref_slice %arg5[%arg1, %run_scoped3A_34, %dma_wait3A_60, %dma_wait3A_61] : memref<16x2x40x128xi32, #tpu.memory_space<hbm>> -> memref<1x1x40x128xi32, #tpu.memory_space<hbm>>
        %dma_wait3A_63 = tpu.memref_squeeze %dma_wait3A_62 : memref<1x1x40x128xi32, #tpu.memory_space<hbm>> -> memref<40x128xi32, #tpu.memory_space<hbm>>
        tpu.wait_dma2 semaphore(%run_scoped3A_48 : memref<!tpu.dma_semaphore, #tpu.memory_space<semaphore_mem>>) src(%dma_wait3A_63 : memref<40x128xi32, #tpu.memory_space<hbm>>) dst(%arg10 : memref<40x128xi32, #tpu.memory_space<vmem>>)
        tpu.yield
      }) : () -> ()
      %dma_start3A_35 = arith.constant 0 : i32
      %dma_start3A_36 = arith.constant 0 : i32
      %dma_start3A_37 = tpu.memref_slice %arg9[%dma_start3A_35, %dma_start3A_36] : memref<40x128xi32, #tpu.memory_space<vmem>> -> memref<1x128xi32, #tpu.memory_space<vmem>>
      %dma_start3A_38 = tpu.memref_squeeze %dma_start3A_37 : memref<1x128xi32, #tpu.memory_space<vmem>> -> memref<128xi32, #tpu.memory_space<vmem>>
      %dma_start3A_39 = arith.constant 0 : i32
      %dma_start3A_40 = arith.constant 0 : i32
      %dma_start3A_41 = tpu.memref_slice %arg3[%dma_start3A_39, %dma_start3A_40] : memref<10000x128xf32, #tpu.memory_space<hbm>> -> memref<10000x128xf32, #tpu.memory_space<hbm>>
      tpu.enqueue_indirect_dma source(%dma_start3A_41 : memref<10000x128xf32, #tpu.memory_space<hbm>>) target(%arg11 : memref<128x128xf32, #tpu.memory_space<vmem>>) offsets(%dma_start3A_38 : memref<128xi32, #tpu.memory_space<vmem>>) semaphore(%arg14 : memref<!tpu.dma_semaphore, #tpu.memory_space<semaphore_mem>>)
      %scan3A_42 = arith.constant 0 : i32
      %scan3A_43 = arith.constant 0 : i32
      %scan3A_44 = arith.constant 20 : i32
      %scan3A_45 = arith.addi %scan3A_43, %scan3A_44 : i32
      %scan3A_46 = arith.constant 1 : i32
      scf.for %scan3A_48 = %scan3A_43 to %scan3A_45 step %scan3A_46  : i32 {
        %mul3A_49 = arith.constant 2 : i32
        %mul3A_50 = arith.muli %mul3A_49, %scan3A_48 : i32
        %dma_wait3A = arith.constant 0 : i32
        %dma_wait3A_51 = tpu.memref_slice %arg9[%mul3A_50, %dma_wait3A] : memref<40x128xi32, #tpu.memory_space<vmem>> -> memref<1x128xi32, #tpu.memory_space<vmem>>
        %dma_wait3A_52 = tpu.memref_squeeze %dma_wait3A_51 : memref<1x128xi32, #tpu.memory_space<vmem>> -> memref<128xi32, #tpu.memory_space<vmem>>
        %dma_wait3A_53 = arith.constant 0 : i32
        %dma_wait3A_54 = arith.constant 0 : i32
        %dma_wait3A_55 = tpu.memref_slice %arg3[%dma_wait3A_53, %dma_wait3A_54] : memref<10000x128xf32, #tpu.memory_space<hbm>> -> memref<10000x128xf32, #tpu.memory_space<hbm>>
        tpu.wait_indirect_dma semaphore(%arg14 : memref<!tpu.dma_semaphore, #tpu.memory_space<semaphore_mem>>) src(%dma_wait3A_55 : memref<10000x128xf32, #tpu.memory_space<hbm>>) dst(%arg11 : memref<128x128xf32, #tpu.memory_space<vmem>>)
        %add3A = arith.constant 1 : i32
        %add3A_56 = arith.addi %mul3A_50, %add3A : i32
        %dma_start3A_57 = arith.constant 0 : i32
        %dma_start3A_58 = tpu.memref_slice %arg9[%add3A_56, %dma_start3A_57] : memref<40x128xi32, #tpu.memory_space<vmem>> -> memref<1x128xi32, #tpu.memory_space<vmem>>
        %dma_start3A_59 = tpu.memref_squeeze %dma_start3A_58 : memref<1x128xi32, #tpu.memory_space<vmem>> -> memref<128xi32, #tpu.memory_space<vmem>>
        %dma_start3A_60 = arith.constant 0 : i32
        %dma_start3A_61 = arith.constant 0 : i32
        %dma_start3A_62 = tpu.memref_slice %arg3[%dma_start3A_60, %dma_start3A_61] : memref<10000x128xf32, #tpu.memory_space<hbm>> -> memref<10000x128xf32, #tpu.memory_space<hbm>>
        tpu.enqueue_indirect_dma source(%dma_start3A_62 : memref<10000x128xf32, #tpu.memory_space<hbm>>) target(%arg12 : memref<128x128xf32, #tpu.memory_space<vmem>>) offsets(%dma_start3A_59 : memref<128xi32, #tpu.memory_space<vmem>>) semaphore(%arg15 : memref<!tpu.dma_semaphore, #tpu.memory_space<semaphore_mem>>)
        "tpu.region"() ({
          %run_scoped3A_77 = tpu.sem_alloc : memref<!tpu.dma_semaphore, #tpu.memory_space<semaphore_mem>>
          %dma_start3A_78 = arith.constant 0 : i32
          %dma_start3A_79 = tpu.memref_slice %arg10[%mul3A_50, %dma_start3A_78] : memref<40x128xi32, #tpu.memory_space<vmem>> -> memref<1x128xi32, #tpu.memory_space<vmem>>
          %dma_start3A_80 = tpu.memref_squeeze %dma_start3A_79 : memref<1x128xi32, #tpu.memory_space<vmem>> -> memref<128xi32, #tpu.memory_space<vmem>>
          %dma_start3A_81 = arith.constant 0 : i32
          %dma_start3A_82 = arith.constant 0 : i32
          %dma_start3A_83 = tpu.memref_slice %arg13[%dma_start3A_81, %dma_start3A_82] : memref<10112x128xf32, #tpu.memory_space<vmem_shared>> -> memref<10112x128xf32, #tpu.memory_space<vmem_shared>>
          tpu.enqueue_indirect_dma source(%arg11 : memref<128x128xf32, #tpu.memory_space<vmem>>) target(%dma_start3A_83 : memref<10112x128xf32, #tpu.memory_space<vmem_shared>>) offsets(%dma_start3A_80 : memref<128xi32, #tpu.memory_space<vmem>>) semaphore(%run_scoped3A_77 : memref<!tpu.dma_semaphore, #tpu.memory_space<semaphore_mem>>) {add = true}
          %dma_wait3A_84 = arith.constant 0 : i32
          %dma_wait3A_85 = tpu.memref_slice %arg10[%mul3A_50, %dma_wait3A_84] : memref<40x128xi32, #tpu.memory_space<vmem>> -> memref<1x128xi32, #tpu.memory_space<vmem>>
          %dma_wait3A_86 = tpu.memref_squeeze %dma_wait3A_85 : memref<1x128xi32, #tpu.memory_space<vmem>> -> memref<128xi32, #tpu.memory_space<vmem>>
          %dma_wait3A_87 = arith.constant 0 : i32
          %dma_wait3A_88 = arith.constant 0 : i32
          %dma_wait3A_89 = tpu.memref_slice %arg13[%dma_wait3A_87, %dma_wait3A_88] : memref<10112x128xf32, #tpu.memory_space<vmem_shared>> -> memref<10112x128xf32, #tpu.memory_space<vmem_shared>>
          tpu.wait_indirect_dma semaphore(%run_scoped3A_77 : memref<!tpu.dma_semaphore, #tpu.memory_space<semaphore_mem>>) src(%arg11 : memref<128x128xf32, #tpu.memory_space<vmem>>) dst(%dma_wait3A_89 : memref<10112x128xf32, #tpu.memory_space<vmem_shared>>)
          tpu.yield
        }) : () -> ()
        %add3A_63 = arith.constant 1 : i32
        %add3A_64 = arith.addi %mul3A_50, %add3A_63 : i32
        %dma_wait3A_65 = arith.constant 0 : i32
        %dma_wait3A_66 = tpu.memref_slice %arg9[%add3A_64, %dma_wait3A_65] : memref<40x128xi32, #tpu.memory_space<vmem>> -> memref<1x128xi32, #tpu.memory_space<vmem>>
        %dma_wait3A_67 = tpu.memref_squeeze %dma_wait3A_66 : memref<1x128xi32, #tpu.memory_space<vmem>> -> memref<128xi32, #tpu.memory_space<vmem>>
        %dma_wait3A_68 = arith.constant 0 : i32
        %dma_wait3A_69 = arith.constant 0 : i32
        %dma_wait3A_70 = tpu.memref_slice %arg3[%dma_wait3A_68, %dma_wait3A_69] : memref<10000x128xf32, #tpu.memory_space<hbm>> -> memref<10000x128xf32, #tpu.memory_space<hbm>>
        tpu.wait_indirect_dma semaphore(%arg15 : memref<!tpu.dma_semaphore, #tpu.memory_space<semaphore_mem>>) src(%dma_wait3A_70 : memref<10000x128xf32, #tpu.memory_space<hbm>>) dst(%arg12 : memref<128x128xf32, #tpu.memory_space<vmem>>)
        %lt3A = arith.constant 19 : i32
        %lt3A_71 = arith.cmpi slt, %scan3A_48, %lt3A : i32
        %convert_element_type3A_72 = arith.extui %lt3A_71 : i1 to i32
        %cond3A_73 = arith.constant 0 : i32
        %cond3A_74 = arith.cmpi ne, %convert_element_type3A_72, %cond3A_73 : i32
        scf.if %cond3A_74 {
          %add3A_77 = arith.constant 2 : i32
          %add3A_78 = arith.addi %mul3A_50, %add3A_77 : i32
          %dma_start3A_79 = arith.constant 0 : i32
          %dma_start3A_80 = tpu.memref_slice %arg9[%add3A_78, %dma_start3A_79] : memref<40x128xi32, #tpu.memory_space<vmem>> -> memref<1x128xi32, #tpu.memory_space<vmem>>
          %dma_start3A_81 = tpu.memref_squeeze %dma_start3A_80 : memref<1x128xi32, #tpu.memory_space<vmem>> -> memref<128xi32, #tpu.memory_space<vmem>>
          %dma_start3A_82 = arith.constant 0 : i32
          %dma_start3A_83 = arith.constant 0 : i32
          %dma_start3A_84 = tpu.memref_slice %arg3[%dma_start3A_82, %dma_start3A_83] : memref<10000x128xf32, #tpu.memory_space<hbm>> -> memref<10000x128xf32, #tpu.memory_space<hbm>>
          tpu.enqueue_indirect_dma source(%dma_start3A_84 : memref<10000x128xf32, #tpu.memory_space<hbm>>) target(%arg11 : memref<128x128xf32, #tpu.memory_space<vmem>>) offsets(%dma_start3A_81 : memref<128xi32, #tpu.memory_space<vmem>>) semaphore(%arg14 : memref<!tpu.dma_semaphore, #tpu.memory_space<semaphore_mem>>)
        } else {
        }
        %add3A_75 = arith.constant 1 : i32
        %add3A_76 = arith.addi %mul3A_50, %add3A_75 : i32
        "tpu.region"() ({
          %run_scoped3A_77 = tpu.sem_alloc : memref<!tpu.dma_semaphore, #tpu.memory_space<semaphore_mem>>
          %dma_start3A_78 = arith.constant 0 : i32
          %dma_start3A_79 = tpu.memref_slice %arg10[%add3A_76, %dma_start3A_78] : memref<40x128xi32, #tpu.memory_space<vmem>> -> memref<1x128xi32, #tpu.memory_space<vmem>>
          %dma_start3A_80 = tpu.memref_squeeze %dma_start3A_79 : memref<1x128xi32, #tpu.memory_space<vmem>> -> memref<128xi32, #tpu.memory_space<vmem>>
          %dma_start3A_81 = arith.constant 0 : i32
          %dma_start3A_82 = arith.constant 0 : i32
          %dma_start3A_83 = tpu.memref_slice %arg13[%dma_start3A_81, %dma_start3A_82] : memref<10112x128xf32, #tpu.memory_space<vmem_shared>> -> memref<10112x128xf32, #tpu.memory_space<vmem_shared>>
          tpu.enqueue_indirect_dma source(%arg12 : memref<128x128xf32, #tpu.memory_space<vmem>>) target(%dma_start3A_83 : memref<10112x128xf32, #tpu.memory_space<vmem_shared>>) offsets(%dma_start3A_80 : memref<128xi32, #tpu.memory_space<vmem>>) semaphore(%run_scoped3A_77 : memref<!tpu.dma_semaphore, #tpu.memory_space<semaphore_mem>>) {add = true}
          %dma_wait3A_84 = arith.constant 0 : i32
          %dma_wait3A_85 = tpu.memref_slice %arg10[%add3A_76, %dma_wait3A_84] : memref<40x128xi32, #tpu.memory_space<vmem>> -> memref<1x128xi32, #tpu.memory_space<vmem>>
          %dma_wait3A_86 = tpu.memref_squeeze %dma_wait3A_85 : memref<1x128xi32, #tpu.memory_space<vmem>> -> memref<128xi32, #tpu.memory_space<vmem>>
          %dma_wait3A_87 = arith.constant 0 : i32
          %dma_wait3A_88 = arith.constant 0 : i32
          %dma_wait3A_89 = tpu.memref_slice %arg13[%dma_wait3A_87, %dma_wait3A_88] : memref<10112x128xf32, #tpu.memory_space<vmem_shared>> -> memref<10112x128xf32, #tpu.memory_space<vmem_shared>>
          tpu.wait_indirect_dma semaphore(%run_scoped3A_77 : memref<!tpu.dma_semaphore, #tpu.memory_space<semaphore_mem>>) src(%arg12 : memref<128x128xf32, #tpu.memory_space<vmem>>) dst(%dma_wait3A_89 : memref<10112x128xf32, #tpu.memory_space<vmem_shared>>)
          tpu.yield
        }) : () -> ()
      }
      %scan3A_47 = arith.constant 20 : i32
    } else {
    }
    %barrier3A_10 = arith.constant 0 : index
    tpu.barrier barrier_id(%barrier3A_10)
    %eq3A_11 = arith.constant 0 : i32
    %eq3A_12 = arith.cmpi eq, %arg0, %eq3A_11 : i32
    %convert_element_type3A_13 = arith.extui %eq3A_12 : i1 to i32
    %cond3A_14 = arith.constant 0 : i32
    %cond3A_15 = arith.cmpi ne, %convert_element_type3A_13, %cond3A_14 : i32
    scf.if %cond3A_15 {
      %mul3A_21 = arith.constant 632 : i32
      %mul3A_22 = arith.muli %arg1, %mul3A_21 : i32
      %mul3A_23 = arith.constant 632 : i32
      %mul3A_24 = arith.muli %arg1, %mul3A_23 : i32
      "tpu.region"() ({
        %run_scoped3A = tpu.sem_alloc : memref<!tpu.dma_semaphore, #tpu.memory_space<semaphore_mem>>
        %dma_start3A = arith.constant 0 : i32
        %dma_start3A_25 = tpu.memref_slice %arg7[%mul3A_24, %dma_start3A] : memref<10112x128xf32, #tpu.memory_space<hbm>> -> memref<632x128xf32, #tpu.memory_space<hbm>>
        %dma_start3A_26 = arith.constant 0 : i32
        %dma_start3A_27 = tpu.memref_slice %arg13[%mul3A_22, %dma_start3A_26] : memref<10112x128xf32, #tpu.memory_space<vmem_shared>> -> memref<632x128xf32, #tpu.memory_space<vmem_shared>>
        tpu.enqueue_dma source(%dma_start3A_27 : memref<632x128xf32, #tpu.memory_space<vmem_shared>>) target(%dma_start3A_25 : memref<632x128xf32, #tpu.memory_space<hbm>>) target_semaphore(%run_scoped3A : memref<!tpu.dma_semaphore, #tpu.memory_space<semaphore_mem>>)
        %dma_wait3A = arith.constant 0 : i32
        %dma_wait3A_28 = tpu.memref_slice %arg7[%mul3A_24, %dma_wait3A] : memref<10112x128xf32, #tpu.memory_space<hbm>> -> memref<632x128xf32, #tpu.memory_space<hbm>>
        %dma_wait3A_29 = arith.constant 0 : i32
        %dma_wait3A_30 = tpu.memref_slice %arg13[%mul3A_22, %dma_wait3A_29] : memref<10112x128xf32, #tpu.memory_space<vmem_shared>> -> memref<632x128xf32, #tpu.memory_space<vmem_shared>>
        tpu.wait_dma2 semaphore(%run_scoped3A : memref<!tpu.dma_semaphore, #tpu.memory_space<semaphore_mem>>) src(%dma_wait3A_30 : memref<632x128xf32, #tpu.memory_space<vmem_shared>>) dst(%dma_wait3A_28 : memref<632x128xf32, #tpu.memory_space<hbm>>)
        tpu.yield
      }) : () -> ()
    } else {
    }
    %eq3A_16 = arith.constant 1 : i32
    %eq3A_17 = arith.cmpi eq, %arg0, %eq3A_16 : i32
    %convert_element_type3A_18 = arith.extui %eq3A_17 : i1 to i32
    %cond3A_19 = arith.constant 0 : i32
    %cond3A_20 = arith.cmpi ne, %convert_element_type3A_18, %cond3A_19 : i32
    scf.if %cond3A_20 {
      %mul3A_21 = arith.constant 632 : i32
      %mul3A_22 = arith.muli %arg1, %mul3A_21 : i32
      %mul3A_23 = arith.constant 632 : i32
      %mul3A_24 = arith.muli %arg1, %mul3A_23 : i32
      "tpu.region"() ({
        %run_scoped3A = tpu.sem_alloc : memref<!tpu.dma_semaphore, #tpu.memory_space<semaphore_mem>>
        %dma_start3A = arith.constant 0 : i32
        %dma_start3A_25 = tpu.memref_slice %arg8[%mul3A_24, %dma_start3A] : memref<10112x128xf32, #tpu.memory_space<hbm>> -> memref<632x128xf32, #tpu.memory_space<hbm>>
        %dma_start3A_26 = arith.constant 0 : i32
        %dma_start3A_27 = tpu.memref_slice %arg13[%mul3A_22, %dma_start3A_26] : memref<10112x128xf32, #tpu.memory_space<vmem_shared>> -> memref<632x128xf32, #tpu.memory_space<vmem_shared>>
        tpu.enqueue_dma source(%dma_start3A_27 : memref<632x128xf32, #tpu.memory_space<vmem_shared>>) target(%dma_start3A_25 : memref<632x128xf32, #tpu.memory_space<hbm>>) target_semaphore(%run_scoped3A : memref<!tpu.dma_semaphore, #tpu.memory_space<semaphore_mem>>)
        %dma_wait3A = arith.constant 0 : i32
        %dma_wait3A_28 = tpu.memref_slice %arg8[%mul3A_24, %dma_wait3A] : memref<10112x128xf32, #tpu.memory_space<hbm>> -> memref<632x128xf32, #tpu.memory_space<hbm>>
        %dma_wait3A_29 = arith.constant 0 : i32
        %dma_wait3A_30 = tpu.memref_slice %arg13[%mul3A_22, %dma_wait3A_29] : memref<10112x128xf32, #tpu.memory_space<vmem_shared>> -> memref<632x128xf32, #tpu.memory_space<vmem_shared>>
        tpu.wait_dma2 semaphore(%run_scoped3A : memref<!tpu.dma_semaphore, #tpu.memory_space<semaphore_mem>>) src(%dma_wait3A_30 : memref<632x128xf32, #tpu.memory_space<vmem_shared>>) dst(%dma_wait3A_28 : memref<632x128xf32, #tpu.memory_space<hbm>>)
        tpu.yield
      }) : () -> ()
    } else {
    }
    return
  }
}

</mosaic_0001>

<sc_bundles>
// kernel: kernel.3.cloned.1.call-start
scs
__scs_entry_jumppad:
0x0: {  	(pc) =	sbr.rel $0x88, $3  }
0x1: {  	(tag) =	ssettag $0x0;
	lr =	simm.s32 $0x1  }
0x2: {  	[smem:$0x3F9F] =	sst lr;
	_ =	strace $0xD0000000  }
0x3: {  	_ = 	snop  }
0x4: {  	_ = 	snop  }
0x5: {  	_ = 	snop  }
0x6: {  	_ = 	snop  }
0x7: {  	_ = 	snop  }
__scs_overlays_trampoline_lowered:
0x8: {  	[smem:$0x3FAE] =	sst s0  }
0x9: {  	[smem:$0x3FAF] =	sst s1  }
0xa: {  	[smem:$0x3FB0] =	sst s2  }
0xb: {  	[smem:$0x3FB1] =	sst s3  }
0xc: {  	[smem:$0x3FB2] =	sst s4  }
0xd: {  	[smem:$0x3FB3] =	sst s5  }
0xe: {  	[smem:$0x3FB4] =	sst s6  }
0xf: {  	[smem:$0x3FB5] =	sst s7  }
0x10: {  	[smem:$0x3FB6] =	sst s8  }
0x11: {  	[smem:$0x3FB7] =	sst s9;
	s0 =	simm.s32 @!p0 $0x0  }
0x12: {  	s1 =	sld [smem:$0x3F9D];
	s0 =	simm.s32 @p0 $0x1  }
0x13: {  	[smem:$0x3FB8] =	sst s0;
	s0 =	simm.s32 @!p1 $0x0  }
0x14: {  	s2 =	sld [smem:$0x3F9C];
	s0 =	simm.s32 @p1 $0x1  }
0x15: {  	[smem:$0x3FB9] =	sst s0;
	s0 =	simm.s32 @!p2 $0x0  }
0x16: {  	s3 =	sld [smem:$0x3FDB];
	s0 =	simm.s32 @p2 $0x1  }
0x17: {  	s4 =	simm.s32 $0x1BF5;
	[smem:$0x3FBB] =	sst s0  }
0x18: {  	s0 =	sld [smem:$0x3F9E];
	_ =	swait.ge [sflag:s4], $0x0  }
0x19: {  	s7 =	sld [smem:$0x3F9F]  }
0x1a: {  	s8 =	sadd.s32 $0xFFFFE003, lr  }
0x1b: {  	s9 =	sadd.s32 $0xFFFFFEF7, lr;
	s5 =	simm.s32 $0xFFFFFFFF;
	p2 =	slt.u32 s8, $0xFFFFF086  }
0x1c: {  	p1 =	slt.u32 s9, $0xF7A;
	s5 =	simm.s32 @!p2 $0x0  }
0x1d: {  	s5 =	simm.s32 @p1 $0x1;
	p0 =	seq.s32 s7, s2  }
0x1e: {  	s7 =	smul.u32 @!p0 $0xF7A, s2;
	p2 =	seq.s32 @!p0 s5, $0x0  }
0x1f: {  	s9 =	smul.u32 $0xF7A, s1;
	s8 =	simm.s32 @!p0 $0x1BF5;
	p2 =	por !p2, p0  }
0x20: {  	[sflag:s8] =	ssyncset.s32 @!p0 $0xFFFFF086;
	s6 =	sadd.s32 @!p0 s3, s7;
	s7 =	simm.s32 @!p0 $0x108  }
0x21: {  	s3 =	sadd.s32 s3, s9;
	s6 =	sadd.s32 @!p0 $0x88, s6;
	s7 =	simm.s32 @p2 $0x1082  }
0x22: {  	[simem:s7], [sflag:s8] =	dma.local @!p0 [hbm:s6], $0xF7A  }
0x23: {  	s9 =	sor.u32 $0xD0000000, s2;
	s6 =	simm.s32 $0x108;
	_ =	swait.ge @!p0 [sflag:s8], $0x0  }
0x24: {  	s3 =	sadd.s32 $0x88, s3;
	s6 =	simm.s32 @!p1 $0x1082;
	[sflag:s4] =	ssyncset.s32 $0xFFFFF086  }
0x25: {  	[simem:s6], [sflag:s4] =	dma.local [hbm:s3], $0xF7A  }
0x26: {  	[smem:$0x3F9F] =	sst s1;
	(tag) =	ssettag s2;
	_ =	strace s9  }
0x27: {  	s1 =	sld [smem:$0x3FAF]  }
0x28: {  	s2 =	sld [smem:$0x3FB0]  }
0x29: {  	s4 =	sld [smem:$0x3FB2]  }
0x2a: {  	p0 =	seq.s32 s5, $0x0;
	s5 =	sld [smem:$0x3FB3]  }
0x2b: {  	s6 =	sld [smem:$0x3FB4]  }
0x2c: {  	s7 =	sld [smem:$0x3FB5]  }
0x2d: {  	s3 =	simm.s32 $0x108;
	s8 =	sld [smem:$0x3FB6]  }
0x2e: {  	s3 =	simm.s32 @!p0 $0x1082;
	s9 =	sld [smem:$0x3FB7]  }
0x2f: {  	lr =	sadd.s32 s0, s3;
	s0 =	sld [smem:$0x3FAE]  }
0x30: {  	s3 =	sld [smem:$0x3FB1]  }
0x31: {  	[smem:$0x3FBA] =	sst s10  }
0x32: {  	s10 =	sld [smem:$0x3FB8];
	_ =	sdelay $0x3  }
0x33: {  	p0 =	seq.s32 s10, $0x1;
	s10 =	sld [smem:$0x3FBA];
	_ =	sdelay $0x3  }
0x34: {  	[smem:$0x3FBA] =	sst s10  }
0x35: {  	s10 =	sld [smem:$0x3FB9];
	_ =	sdelay $0x3  }
0x36: {  	p1 =	seq.s32 s10, $0x1;
	s10 =	sld [smem:$0x3FBA];
	_ =	sdelay $0x3  }
0x37: {  	[smem:$0x3FBA] =	sst s10  }
0x38: {  	s10 =	sld [smem:$0x3FBB]  }
0x39: {  	_ = 	snop;
	(pc) =	sbr.ind lr, $3  }
0x3a: {  	_ = 	snop  }
0x3b: {  	_ = 	snop  }
0x3c: {  	p2 =	seq.s32 s10, $0x1;
	s10 =	sld [smem:$0x3FBA]  }
0x3d: {  	_ =	shalt  }
0x3e: {  	_ =	shalt  }
0x3f: {  	_ =	shalt  }
0x40: {  	_ =	shalt  }
0x41: {  	_ =	shalt  }
0x42: {  	_ =	shalt  }
0x43: {  	_ =	shalt  }
0x44: {  	_ =	shalt  }
0x45: {  	_ =	shalt  }
0x46: {  	_ =	shalt  }
0x47: {  	_ =	shalt  }
0x48: {  	_ =	shalt  }
0x49: {  	_ =	shalt  }
0x4a: {  	_ =	shalt  }
0x4b: {  	_ =	shalt  }
0x4c: {  	_ =	shalt  }
0x4d: {  	_ =	shalt  }
0x4e: {  	_ =	shalt  }
0x4f: {  	_ =	shalt  }
0x50: {  	_ =	shalt  }
0x51: {  	_ =	shalt  }
0x52: {  	_ =	shalt  }
0x53: {  	_ =	shalt  }
0x54: {  	_ =	shalt  }
0x55: {  	_ =	shalt  }
0x56: {  	_ =	shalt  }
0x57: {  	_ =	shalt  }
0x58: {  	_ =	shalt  }
0x59: {  	_ =	shalt  }
0x5a: {  	_ =	shalt  }
0x5b: {  	_ =	shalt  }
0x5c: {  	_ =	shalt  }
0x5d: {  	_ =	shalt  }
0x5e: {  	_ =	shalt  }
0x5f: {  	_ =	shalt  }
0x60: {  	_ =	shalt  }
0x61: {  	_ =	shalt  }
0x62: {  	_ =	shalt  }
0x63: {  	_ =	shalt  }
0x64: {  	_ =	shalt  }
0x65: {  	_ =	shalt  }
0x66: {  	_ =	shalt  }
0x67: {  	_ =	shalt  }
0x68: {  	_ =	shalt  }
0x69: {  	_ =	shalt  }
0x6a: {  	_ =	shalt  }
0x6b: {  	_ =	shalt  }
0x6c: {  	_ =	shalt  }
0x6d: {  	_ =	shalt  }
0x6e: {  	_ =	shalt  }
0x6f: {  	_ =	shalt  }
0x70: {  	_ =	shalt  }
0x71: {  	_ =	shalt  }
0x72: {  	_ =	shalt  }
0x73: {  	_ =	shalt  }
0x74: {  	_ =	shalt  }
0x75: {  	_ =	shalt  }
0x76: {  	_ =	shalt  }
0x77: {  	_ =	shalt  }
0x78: {  	_ =	shalt  }
0x79: {  	_ =	shalt  }
0x7a: {  	_ =	shalt  }
0x7b: {  	_ =	shalt  }
0x7c: {  	_ =	shalt  }
0x7d: {  	_ =	shalt  }
0x7e: {  	_ =	shalt  }
0x7f: {  	_ =	shalt  }
0x80: {  	_ =	shalt  }
0x81: {  	_ =	shalt  }
0x82: {  	_ =	shalt  }
0x83: {  	_ =	shalt  }
0x84: {  	_ =	shalt  }
0x85: {  	_ =	shalt  }
0x86: {  	_ =	shalt  }
0x87: {  	_ =	shalt  }
.Lfunc_end0:
.L_simem_size_0:
called_computation_lowered:
.L_overlay_start_0:
0x88: {  	s2 =	sld [smem:$0x3FD9]  }
0x89: {  	s3 =	sld [smem:$0x3FFE];
	_ =	sdelay $0x1  }
0x8a: {  	s1 =	srdreg.scid  }
0x8b: {  	s0 =	sand.u32 $0x1, s1  }
0x8c: {  	s17 =	sshll.u32 s0, $0xA;
	s2 =	sadd.s32 s3, s2  }
0x8d: {  	s2 =	sadd.s32 s2, s17  }
0x8e: {  	[smem:$0x3FC6] =	sst s2  }
0x8f: {  	_ = 	snop  }
0x90: {  	s2 =	sld [smem:$0x3FD0];
	(tm) =	ssettm $0x1  }
0x91: {  	s18 =	sld [smem:$0x3FFB];
	_ =	sdelay $0x3  }
0x92: {  	_ =	strace s18  }
0x93: {  	s3 =	sld [smem:$0x3FFC];
	_ =	sdelay $0x3  }
0x94: {  	_ =	strace s3  }
0x95: {  	s3 =	sld [smem:$0x3FFD];
	_ =	sdelay $0x3  }
0x96: {  	_ =	strace s3  }
0x97: {  	_ =	strace $0x8FFFFFFF  }
0x98: {  	s19 =	sld [smem:$0x3FDB];
	_ =	sdelay $0x1  }
0x99: {  	s4 =	simm.s32 $_scs_section_size  }
0x9a: {  	s5 =	simm.s32 $_size__tile_overlayer_lowered;
	s6 =	simm.s32 $_tile_overlayer_lowered  }
0x9b: {  	s22 =	simm.s32 $0x1BFF;
	s21 =	sshll.u32 s6, $0x1;
	s3 =	sadd.s32 s4, s19  }
0x9c: {  	s7 =	simm.s32 $0x0;
	s20 =	sshll.u32 s5, $0x1;
	s5 =	sadd.s32 s21, s3  }
0x9d: {  	[timem:s7], [sflag:s22] =	dma.local [hbm:s5], s20  }
0x9e: {  	_ =	swait.ge [sflag:s22], s20  }
0x9f: {  	s4 =	ssub.s32 $0x0, s20;
	[sflag:s22] =	ssyncset.done $0x0  }
0xa0: {  	[sflag:s22] =	ssyncadd.s32 s4;
	_ =	sdelay $0x1  }
0xa1: {  	s23 =	simm.s32 $0x1B8B  }
0xa2: {  	_ =	swait.ge [sflag:s23], $0x1  }
0xa3: {  	[sflag:s23] =	ssyncset.done $0x0  }
0xa4: {  	s25 =	simm.s32 $0x1B8E;
	s24 =	sld [smem:$0x3FFE];
	[sflag:s23] =	ssyncadd.s32 $0xFFFFFFFF  }
0xa5: {  	s26 =	simm.s32 $execute0_lowered;
	[smem:$0x3FD2] =	sst s25  }
0xa6: {  	s5 =	sshll.u32 s26, $0x1;
	_ =	strace $0x80000046;
	[dreg:$0x1] =	wrdreg $0xFFFFFFFF  }
0xa7: {  	s28 =	simm.s32 $_size_execute0_lowered;
	s3 =	sadd.s32 s3, s5;
	[dreg:$0x0] =	wrdreg $0x0  }
0xa8: {  	s5 =	sshll.u32 s28, $0x1;
	[dreg:$0x2] =	wrdreg s3  }
0xa9: {  	[dreg:$0x3] =	wrdreg s5  }
0xaa: {  	[dreg:$0x4] =	wrdreg $0xC0  }
0xab: {  	_ =	task [dreg:s7], $0x5FFFF  }
0xac: {  	[dreg:$0x1] =	wrdreg $0xFFFFFFFF  }
0xad: {  	[dreg:$0x0] =	wrdreg $0x60  }
0xae: {  	[dreg:$0x2] =	wrdreg s24  }
0xaf: {  	[dreg:$0x3] =	wrdreg s2  }
0xb0: {  	[dreg:$0x4] =	wrdreg $0xA8000  }
0xb1: {  	[dreg:$0x5] =	wrdreg $0x9  }
0xb2: {  	_ =	task.clear_ibuf [dreg:s7], $0x6FFFF;
	_ =	strace $0x90000046  }
0xb3: {  	s29 =	simm.s32 $0x9;
	_ =	strace $0x80000048  }
0xb4: {  	_ =	swait.ge [sflag:s29], $0x1  }
0xb5: {  	[sflag:s29] =	ssyncadd.s32 $0xFFFFFFFF  }
0xb6: {  	_ =	strace $0x90000048  }
0xb7: {  	_ =	sfence  }
0xb8: {  	s30 =	sld [smem:$0x0];
	_ =	sdelay $0x2  }
0xb9: {  	s31 =	sshll.u32 s1, $0xD;
	s1 =	sshrl.u32 s1, $0x2  }
0xba: {  	s3 =	sand.u32 $0x4000, s31;
	s1 =	sadd.s32 s1, s30  }
0xbb: {  	s0 =	sor.u32 s3, s0;
	s1 =	sshll.u32 s1, $0x11  }
0xbc: {  	s0 =	sor.u32 s1, s0  }
0xbd: {  	s0 =	sadd.s32 $0x8F2B, s0  }
0xbe: {  	[sflag:s0] =	ssyncadd.remote.s32 $0x1  }
0xbf: {  	_ =	sfence.sel $0xFFFF  }
0xc0: {  	[dreg:$0x0] =	wrdreg $0xFFFFFFFF;
	(pc) =	sbr.abs _section_cstart, $3  }
0xc1: {  	[dreg:$0x1] =	wrdreg $0xFFFFFFFF  }
0xc2: {  	_ =	task.clear_ibuf [dreg:s7], $0x2FFFF;
	_ =	strace $0x9FFFFFFF  }
0xc3: {  	(tm) =	ssettm $0x7FFFFFFF  }
tec
execute0_lowered:
.L_overlay_start_1:
0x0: {  	(tag) =	ssettag $0x1  }
0x1: {  	s7 =	rddreg [dreg:$0x0]  }
0x2: {  	s9 =	rddreg [dreg:$0x1]  }
0x3: {  	s1 =	rddreg [dreg:$0x2]  }
0x4: {  	s0 =	rddreg [dreg:$0x3];
	s2 =	simm.s32 $0x0;
	s6 =	srdreg.scid  }
0x5: {  	s4 =	stileid.u32;
	s19 =	simm.s32 $0x80;
	s20 =	simm.s32 $0x2800  }
0x6: {  	s21 =	simm.s32 $0x1;
	s22 =	simm.s32 $0x6800;
	s23 =	simm.s32 $0x2  }
0x7: {  	s24 =	simm.s32 $0x1380;
	s25 =	simm.s32 $0x2700;
	s26 =	simm.s32 $0x2780  }
0x8: {  	s28 =	simm.s32 $0x0;
	[smem:$0x7FF] =	sst s2;
	s3 =	sadd.s32 $0x27600, s7  }
0x9: {  	s5 =	sadd.s32 $0x400, s7;
	s13 =	sadd.s32 $0x53800, s7;
	s14 =	sadd.s32 $0x4E800, s7  }
0xa: {  	s16 =	sand.u32 $0x1, s6;
	s6 =	sadd.s32 $0x58800, s7;
	s10 =	smul.u32 $0x4F000, s4  }
0xb: {  	s7 =	sadd.s32 $0x80000, s7;
	s12 =	smul.u32 $0x2800, s4;
	s8 =	ssub.s32 $0x2, s16  }
0xc: {  	s31 =	sshll.u32 s4, $0x6;
	_ =	strace $0x80000047;
	s11 =	sshrl.u32 s8, $0x1  }
0xd: {  	p0 =	sne.s32 s16, $0x0;
	s15 =	ssub.s32 s8, s11;
	s8 =	smul.u32 $0x2780, s4  }
.Ltmp0:
0xe: {  	s10 =	sshrl.u32 s10, $0x2;
	s12 =	sshrl.u32 s12, $0x3;
	(pc) =	sbr.rel .LBB2_1-.Ltmp0, $4  }
0xf: {  	s17 =	sadd.s32 s10, s1;
	s10 =	sor.u32 $0x1C03, s31;
	s18 =	sadd.s32 $0x280, s12  }
0x10: {  	s11 =	sadd.s32 s13, s12;
	s12 =	sadd.s32 s14, s12;
	s13 =	sadd.s32 s13, s18  }
0x11: {  	s14 =	sadd.s32 s14, s18;
	s15 =	smax.u32 s15, $0x1;
	s16 =	sshrl.u32 s17, $0x3  }
0x12: {  	s17 =	simm.s32 $0x3;
	s18 =	simm.s32 $0x1400;
	s9 =	sadd.s32 s9, s8  }
.LBB2_11:
0x13: {  	[sflag:s17] =	ssyncadd.s32 $0xFFFFC000  }
0x14: {  	_ =	swait.ge [sflag:s21], $0x4000  }
0x15: {  	[sflag:s21] =	ssyncset.done $0x0  }
0x16: {  	s29 =	smov.u32 s7;
	[sflag:s21] =	ssyncadd.s32 $0xFFFFC000  }
0x17: {  	[tilespmem:s22], [sflag:$0x2] =	stream.indirect.gather [hbm4b:s5+s19], $0x80, s24, s19, $0xb8;
	[tilespmem:$0x1E400] =	vst v63  }
.LBB2_12:
0x18: {  	[spmem:s1] =	stream.indirect.scatter.add.f32 [tilespmem:s20], [sflag:$0x3], $0x80, s25, s19, $0xb8;
	[tilespmem:$0x1E400] =	vst v63  }
0x19: {  	_ =	swait.ge [sflag:s17], $0x4000  }
0x1a: {  	[sflag:s17] =	ssyncset.done $0x0  }
0x1b: {  	[sflag:s17] =	ssyncadd.s32 $0xFFFFC000  }
0x1c: {  	_ =	swait.ge [sflag:s23], $0x4000  }
0x1d: {  	[sflag:s23] =	ssyncset.done $0x0  }
0x1e: {  	[sflag:s23] =	ssyncadd.s32 $0xFFFFC000  }
0x1f: {  	[spmem:s1] =	stream.indirect.scatter.add.f32 [tilespmem:s22], [sflag:$0x3], $0x80, s26, s19, $0xb8;
	[tilespmem:$0x1E400] =	vst v63  }
0x20: {  	_ =	swait.ge [sflag:s17], $0x4000  }
0x21: {  	s28 =	sadd.s32 $0x1, s28;
	[sflag:s17] =	ssyncset.done $0x0  }
0x22: {  	p1 =	sne.s32 s28, s15;
	[sflag:s17] =	ssyncadd.s32 $0xFFFFC000  }
.Ltmp1:
0x23: {  	s29 =	sadd.s32 s29, s8;
	[bflag:$0x0] =	sbarrier.arrive $0xFFFF;
	(pc) =	sbr.rel @!p1 .LBB2_13-.Ltmp1, $4  }
0x24: {  	[hbm:s29], [sflag:s10] =	dma.local [spmem:s16], $0x2780  }
0x25: {  	_ =	swait.ge [sflag:s17], $0x2780  }
0x26: {  	[sflag:s17] =	ssyncset.done $0x0  }
0x27: {  	[sflag:s17] =	ssyncadd.s32 $0xFFFFD880  }
.LBB2_1:
0x28: {  	[spmem:s16], [sflag:s10] =	dma.local [hbm:s9], $0x2780  }
0x29: {  	_ =	swait.ge [sflag:s17], $0x2780  }
0x2a: {  	[sflag:s17] =	ssyncset.done $0x0  }
0x2b: {  	[sflag:s17] =	ssyncadd.s32 $0xFFFFD880  }
0x2c: {  	[bflag:$0x0] =	sbarrier.arrive $0xFFFF  }
0x2d: {  	[tilespmem:s2], [sflag:$0x3] =	stream.linear.gather [hbm4b:s11+s2], $0x1400, $0x38;
	[tilespmem:$0x1E400] =	vst v63  }
0x2e: {  	_ =	swait.ge [sflag:s17], $0x1400  }
0x2f: {  	[sflag:s17] =	ssyncset.done $0x0  }
.Ltmp2:
0x30: {  	[sflag:s17] =	ssyncadd.s32 $0xFFFFEC00;
	(pc) =	sbr.rel @p0 .LBB2_7-.Ltmp2, $4  }
0x31: {  	[tilespmem:s18], [sflag:$0x3] =	stream.linear.gather [hbm4b:s12+s2], $0x1400, $0x38;
	[tilespmem:$0x1E400] =	vst v63  }
0x32: {  	_ =	swait.ge [sflag:s17], $0x1400  }
0x33: {  	[sflag:s17] =	ssyncset.done $0x0  }
0x34: {  	s29 =	simm.s32 $0x0;
	[sflag:s17] =	ssyncadd.s32 $0xFFFFEC00  }
0x35: {  	[tilespmem:s20], [sflag:$0x1] =	stream.indirect.gather [hbm4b:s3+s19], $0x80, s29, s19, $0xb8;
	[tilespmem:$0x1E400] =	vst v63  }
0x36: {  	_ =	swait.ge [sflag:s21], $0x4000  }
0x37: {  	[sflag:s21] =	ssyncset.done $0x0  }
0x38: {  	s29 =	simm.s32 $0x80;
	[sflag:s21] =	ssyncadd.s32 $0xFFFFC000  }
0x39: {  	[tilespmem:s22], [sflag:$0x2] =	stream.indirect.gather [hbm4b:s3+s19], $0x80, s29, s19, $0xb8;
	[tilespmem:$0x1E400] =	vst v63  }
0x3a: {  	s29 =	simm.s32 $0x1400  }
0x3b: {  	[spmem:s1] =	stream.indirect.scatter.add.f32 [tilespmem:s20], [sflag:$0x3], $0x80, s29, s19, $0xb8;
	[tilespmem:$0x1E400] =	vst v63  }
0x3c: {  	_ =	swait.ge [sflag:s17], $0x4000  }
0x3d: {  	[sflag:s17] =	ssyncset.done $0x0  }
0x3e: {  	[sflag:s17] =	ssyncadd.s32 $0xFFFFC000  }
0x3f: {  	_ =	swait.ge [sflag:s23], $0x4000  }
0x40: {  	[sflag:s23] =	ssyncset.done $0x0  }
0x41: {  	s29 =	simm.s32 $0x100;
	[sflag:s23] =	ssyncadd.s32 $0xFFFFC000  }
0x42: {  	[tilespmem:s20], [sflag:$0x1] =	stream.indirect.gather [hbm4b:s3+s19], $0x80, s29, s19, $0xb8;
	[tilespmem:$0x1E400] =	vst v63  }
0x43: {  	s29 =	simm.s32 $0x1480  }
0x44: {  	[spmem:s1] =	stream.indirect.scatter.add.f32 [tilespmem:s22], [sflag:$0x3], $0x80, s29, s19, $0xb8;
	[tilespmem:$0x1E400] =	vst v63  }
0x45: {  	_ =	swait.ge [sflag:s17], $0x4000  }
0x46: {  	s29 =	simm.s32 $0x400;
	[sflag:s17] =	ssyncset.done $0x0  }
.LBB2_3:
0x47: {  	p1 =	sne.s32 s29, $0x4800  }
0x48: {  	[sflag:s17] =	ssyncadd.s32 $0xFFFFC000;
	s30 =	smov.u32 s29;
	s29 =	sadd.s32 $0x400, s29  }
0x49: {  	_ = 	snop  }
0x4a: {  	_ =	swait.ge [sflag:s21], $0x4000  }
0x4b: {  	s30 =	sshra.s32 s30, $0x2;
	[sflag:s21] =	ssyncset.done $0x0  }
0x4c: {  	s31 =	sadd.s32 $0x80, s30;
	[sflag:s21] =	ssyncadd.s32 $0xFFFFC000  }
0x4d: {  	[tilespmem:s22], [sflag:$0x2] =	stream.indirect.gather [hbm4b:s3+s19], $0x80, s31, s19, $0xb8;
	[tilespmem:$0x1E400] =	vst v63  }
0x4e: {  	s31 =	sadd.s32 $0x1400, s30  }
0x4f: {  	[spmem:s1] =	stream.indirect.scatter.add.f32 [tilespmem:s20], [sflag:$0x3], $0x80, s31, s19, $0xb8;
	[tilespmem:$0x1E400] =	vst v63  }
0x50: {  	_ =	swait.ge [sflag:s17], $0x4000  }
0x51: {  	[sflag:s17] =	ssyncset.done $0x0  }
0x52: {  	[sflag:s17] =	ssyncadd.s32 $0xFFFFC000  }
0x53: {  	_ =	swait.ge [sflag:s23], $0x4000  }
0x54: {  	[sflag:s23] =	ssyncset.done $0x0  }
0x55: {  	s31 =	sadd.s32 $0x100, s30;
	[sflag:s23] =	ssyncadd.s32 $0xFFFFC000  }
0x56: {  	[tilespmem:s20], [sflag:$0x1] =	stream.indirect.gather [hbm4b:s3+s19], $0x80, s31, s19, $0xb8;
	[tilespmem:$0x1E400] =	vst v63  }
.Ltmp3:
0x57: {  	_ = 	snop;
	(pc) =	sbr.rel @p1 .LBB2_3-.Ltmp3, $4  }
0x58: {  	s30 =	sadd.s32 $0x1480, s30  }
0x59: {  	[spmem:s1] =	stream.indirect.scatter.add.f32 [tilespmem:s22], [sflag:$0x3], $0x80, s30, s19, $0xb8;
	[tilespmem:$0x1E400] =	vst v63  }
0x5a: {  	_ =	swait.ge [sflag:s17], $0x4000  }
0x5b: {  	[sflag:s17] =	ssyncset.done $0x0  }
0x5c: {  	[sflag:s17] =	ssyncadd.s32 $0xFFFFC000  }
0x5d: {  	_ =	swait.ge [sflag:s21], $0x4000  }
0x5e: {  	[sflag:s21] =	ssyncset.done $0x0  }
0x5f: {  	[sflag:s21] =	ssyncadd.s32 $0xFFFFC000  }
0x60: {  	[tilespmem:s22], [sflag:$0x2] =	stream.indirect.gather [hbm4b:s3+s19], $0x80, s24, s19, $0xb8;
	[tilespmem:$0x1E400] =	vst v63  }
0x61: {  	_ = 	snop  }
0x62: {  	[spmem:s1] =	stream.indirect.scatter.add.f32 [tilespmem:s20], [sflag:$0x3], $0x80, s25, s19, $0xb8;
	[tilespmem:$0x1E400] =	vst v63  }
0x63: {  	_ =	swait.ge [sflag:s17], $0x4000  }
0x64: {  	[sflag:s17] =	ssyncset.done $0x0  }
0x65: {  	[sflag:s17] =	ssyncadd.s32 $0xFFFFC000  }
0x66: {  	_ =	swait.ge [sflag:s23], $0x4000  }
0x67: {  	[sflag:s23] =	ssyncset.done $0x0  }
0x68: {  	[sflag:s23] =	ssyncadd.s32 $0xFFFFC000  }
0x69: {  	[spmem:s1] =	stream.indirect.scatter.add.f32 [tilespmem:s22], [sflag:$0x3], $0x80, s26, s19, $0xb8;
	[tilespmem:$0x1E400] =	vst v63  }
0x6a: {  	_ =	swait.ge [sflag:s17], $0x4000  }
0x6b: {  	[sflag:s17] =	ssyncset.done $0x0  }
0x6c: {  	s29 =	simm.s32 $0x0;
	[sflag:s17] =	ssyncadd.s32 $0xFFFFC000  }
0x6d: {  	[tilespmem:s29], [sflag:$0x3] =	stream.linear.gather [hbm4b:s13+s29], $0x1400, $0x38;
	[tilespmem:$0x1E400] =	vst v63  }
0x6e: {  	_ =	swait.ge [sflag:s17], $0x1400  }
0x6f: {  	[sflag:s17] =	ssyncset.done $0x0  }
0x70: {  	[sflag:s17] =	ssyncadd.s32 $0xFFFFEC00  }
0x71: {  	[tilespmem:s18], [sflag:$0x3] =	stream.linear.gather [hbm4b:s14+s29], $0x1400, $0x38;
	[tilespmem:$0x1E400] =	vst v63  }
0x72: {  	_ =	swait.ge [sflag:s17], $0x1400  }
0x73: {  	[sflag:s17] =	ssyncset.done $0x0  }
0x74: {  	[sflag:s17] =	ssyncadd.s32 $0xFFFFEC00  }
0x75: {  	[tilespmem:s20], [sflag:$0x1] =	stream.indirect.gather [hbm4b:s3+s19], $0x80, s29, s19, $0xb8;
	[tilespmem:$0x1E400] =	vst v63  }
0x76: {  	_ =	swait.ge [sflag:s21], $0x4000  }
0x77: {  	[sflag:s21] =	ssyncset.done $0x0  }
0x78: {  	s29 =	simm.s32 $0x80;
	[sflag:s21] =	ssyncadd.s32 $0xFFFFC000  }
0x79: {  	[tilespmem:s22], [sflag:$0x2] =	stream.indirect.gather [hbm4b:s3+s19], $0x80, s29, s19, $0xb8;
	[tilespmem:$0x1E400] =	vst v63  }
0x7a: {  	s29 =	simm.s32 $0x1400  }
0x7b: {  	[spmem:s1] =	stream.indirect.scatter.add.f32 [tilespmem:s20], [sflag:$0x3], $0x80, s29, s19, $0xb8;
	[tilespmem:$0x1E400] =	vst v63  }
0x7c: {  	_ =	swait.ge [sflag:s17], $0x4000  }
0x7d: {  	[sflag:s17] =	ssyncset.done $0x0  }
0x7e: {  	[sflag:s17] =	ssyncadd.s32 $0xFFFFC000  }
0x7f: {  	_ =	swait.ge [sflag:s23], $0x4000  }
0x80: {  	[sflag:s23] =	ssyncset.done $0x0  }
0x81: {  	s29 =	simm.s32 $0x100;
	[sflag:s23] =	ssyncadd.s32 $0xFFFFC000  }
0x82: {  	[tilespmem:s20], [sflag:$0x1] =	stream.indirect.gather [hbm4b:s3+s19], $0x80, s29, s19, $0xb8;
	[tilespmem:$0x1E400] =	vst v63  }
0x83: {  	s29 =	simm.s32 $0x1480  }
0x84: {  	[spmem:s1] =	stream.indirect.scatter.add.f32 [tilespmem:s22], [sflag:$0x3], $0x80, s29, s19, $0xb8;
	[tilespmem:$0x1E400] =	vst v63  }
0x85: {  	_ =	swait.ge [sflag:s17], $0x4000  }
0x86: {  	s29 =	simm.s32 $0x400;
	[sflag:s17] =	ssyncset.done $0x0  }
.LBB2_5:
0x87: {  	p1 =	sne.s32 s29, $0x4800  }
0x88: {  	[sflag:s17] =	ssyncadd.s32 $0xFFFFC000;
	s30 =	smov.u32 s29;
	s29 =	sadd.s32 $0x400, s29  }
0x89: {  	_ = 	snop  }
0x8a: {  	_ =	swait.ge [sflag:s21], $0x4000  }
0x8b: {  	s30 =	sshra.s32 s30, $0x2;
	[sflag:s21] =	ssyncset.done $0x0  }
0x8c: {  	s31 =	sadd.s32 $0x80, s30;
	[sflag:s21] =	ssyncadd.s32 $0xFFFFC000  }
0x8d: {  	[tilespmem:s22], [sflag:$0x2] =	stream.indirect.gather [hbm4b:s3+s19], $0x80, s31, s19, $0xb8;
	[tilespmem:$0x1E400] =	vst v63  }
0x8e: {  	s31 =	sadd.s32 $0x1400, s30  }
0x8f: {  	[spmem:s1] =	stream.indirect.scatter.add.f32 [tilespmem:s20], [sflag:$0x3], $0x80, s31, s19, $0xb8;
	[tilespmem:$0x1E400] =	vst v63  }
0x90: {  	_ =	swait.ge [sflag:s17], $0x4000  }
0x91: {  	[sflag:s17] =	ssyncset.done $0x0  }
0x92: {  	[sflag:s17] =	ssyncadd.s32 $0xFFFFC000  }
0x93: {  	_ =	swait.ge [sflag:s23], $0x4000  }
0x94: {  	[sflag:s23] =	ssyncset.done $0x0  }
0x95: {  	s31 =	sadd.s32 $0x100, s30;
	[sflag:s23] =	ssyncadd.s32 $0xFFFFC000  }
0x96: {  	[tilespmem:s20], [sflag:$0x1] =	stream.indirect.gather [hbm4b:s3+s19], $0x80, s31, s19, $0xb8;
	[tilespmem:$0x1E400] =	vst v63  }
.Ltmp4:
0x97: {  	_ = 	snop;
	(pc) =	sbr.rel @p1 .LBB2_5-.Ltmp4, $4  }
0x98: {  	s30 =	sadd.s32 $0x1480, s30  }
0x99: {  	[spmem:s1] =	stream.indirect.scatter.add.f32 [tilespmem:s22], [sflag:$0x3], $0x80, s30, s19, $0xb8;
	[tilespmem:$0x1E400] =	vst v63  }
0x9a: {  	_ =	swait.ge [sflag:s17], $0x4000  }
0x9b: {  	[sflag:s17] =	ssyncset.done $0x0  }
.Ltmp5:
0x9c: {  	[sflag:s17] =	ssyncadd.s32 $0xFFFFC000;
	(pc) =	sbr.rel .LBB2_12-.Ltmp5, $4  }
0x9d: {  	_ =	swait.ge [sflag:s21], $0x4000  }
0x9e: {  	[sflag:s21] =	ssyncset.done $0x0  }
0x9f: {  	s29 =	smov.u32 s6;
	[sflag:s21] =	ssyncadd.s32 $0xFFFFC000  }
0xa0: {  	[tilespmem:s22], [sflag:$0x2] =	stream.indirect.gather [hbm4b:s3+s19], $0x80, s24, s19, $0xb8;
	[tilespmem:$0x1E400] =	vst v63  }
.LBB2_7:
0xa1: {  	[tilespmem:s20], [sflag:$0x1] =	stream.indirect.gather [hbm4b:s5+s19], $0x80, s29, s19, $0xb8;
	[tilespmem:$0x1E400] =	vst v63  }
0xa2: {  	_ =	swait.ge [sflag:s21], $0x4000  }
0xa3: {  	[sflag:s21] =	ssyncset.done $0x0  }
0xa4: {  	s29 =	simm.s32 $0x80;
	[sflag:s21] =	ssyncadd.s32 $0xFFFFC000  }
0xa5: {  	[tilespmem:s22], [sflag:$0x2] =	stream.indirect.gather [hbm4b:s5+s19], $0x80, s29, s19, $0xb8;
	[tilespmem:$0x1E400] =	vst v63  }
0xa6: {  	s29 =	simm.s32 $0x1400  }
0xa7: {  	[spmem:s1] =	stream.indirect.scatter.add.f32 [tilespmem:s20], [sflag:$0x3], $0x80, s29, s19, $0xb8;
	[tilespmem:$0x1E400] =	vst v63  }
0xa8: {  	_ =	swait.ge [sflag:s17], $0x4000  }
0xa9: {  	[sflag:s17] =	ssyncset.done $0x0  }
0xaa: {  	[sflag:s17] =	ssyncadd.s32 $0xFFFFC000  }
0xab: {  	_ =	swait.ge [sflag:s23], $0x4000  }
0xac: {  	[sflag:s23] =	ssyncset.done $0x0  }
0xad: {  	s29 =	simm.s32 $0x100;
	[sflag:s23] =	ssyncadd.s32 $0xFFFFC000  }
0xae: {  	[tilespmem:s20], [sflag:$0x1] =	stream.indirect.gather [hbm4b:s5+s19], $0x80, s29, s19, $0xb8;
	[tilespmem:$0x1E400] =	vst v63  }
0xaf: {  	s29 =	simm.s32 $0x1480  }
0xb0: {  	[spmem:s1] =	stream.indirect.scatter.add.f32 [tilespmem:s22], [sflag:$0x3], $0x80, s29, s19, $0xb8;
	[tilespmem:$0x1E400] =	vst v63  }
0xb1: {  	_ =	swait.ge [sflag:s17], $0x4000  }
0xb2: {  	s29 =	simm.s32 $0x400;
	[sflag:s17] =	ssyncset.done $0x0  }
.LBB2_8:
0xb3: {  	p1 =	sne.s32 s29, $0x4800  }
0xb4: {  	[sflag:s17] =	ssyncadd.s32 $0xFFFFC000;
	s30 =	smov.u32 s29;
	s29 =	sadd.s32 $0x400, s29  }
0xb5: {  	_ = 	snop  }
0xb6: {  	_ =	swait.ge [sflag:s21], $0x4000  }
0xb7: {  	s30 =	sshra.s32 s30, $0x2;
	[sflag:s21] =	ssyncset.done $0x0  }
0xb8: {  	s31 =	sadd.s32 $0x80, s30;
	[sflag:s21] =	ssyncadd.s32 $0xFFFFC000  }
0xb9: {  	[tilespmem:s22], [sflag:$0x2] =	stream.indirect.gather [hbm4b:s5+s19], $0x80, s31, s19, $0xb8;
	[tilespmem:$0x1E400] =	vst v63  }
0xba: {  	s31 =	sadd.s32 $0x1400, s30  }
0xbb: {  	[spmem:s1] =	stream.indirect.scatter.add.f32 [tilespmem:s20], [sflag:$0x3], $0x80, s31, s19, $0xb8;
	[tilespmem:$0x1E400] =	vst v63  }
0xbc: {  	_ =	swait.ge [sflag:s17], $0x4000  }
0xbd: {  	[sflag:s17] =	ssyncset.done $0x0  }
0xbe: {  	[sflag:s17] =	ssyncadd.s32 $0xFFFFC000  }
0xbf: {  	_ =	swait.ge [sflag:s23], $0x4000  }
0xc0: {  	[sflag:s23] =	ssyncset.done $0x0  }
0xc1: {  	s31 =	sadd.s32 $0x100, s30;
	[sflag:s23] =	ssyncadd.s32 $0xFFFFC000  }
0xc2: {  	[tilespmem:s20], [sflag:$0x1] =	stream.indirect.gather [hbm4b:s5+s19], $0x80, s31, s19, $0xb8;
	[tilespmem:$0x1E400] =	vst v63  }
.Ltmp6:
0xc3: {  	_ = 	snop;
	(pc) =	sbr.rel @p1 .LBB2_8-.Ltmp6, $4  }
0xc4: {  	s30 =	sadd.s32 $0x1480, s30  }
0xc5: {  	[spmem:s1] =	stream.indirect.scatter.add.f32 [tilespmem:s22], [sflag:$0x3], $0x80, s30, s19, $0xb8;
	[tilespmem:$0x1E400] =	vst v63  }
0xc6: {  	_ =	swait.ge [sflag:s17], $0x4000  }
0xc7: {  	[sflag:s17] =	ssyncset.done $0x0  }
0xc8: {  	[sflag:s17] =	ssyncadd.s32 $0xFFFFC000  }
0xc9: {  	_ =	swait.ge [sflag:s21], $0x4000  }
0xca: {  	[sflag:s21] =	ssyncset.done $0x0  }
0xcb: {  	[sflag:s21] =	ssyncadd.s32 $0xFFFFC000  }
0xcc: {  	[tilespmem:s22], [sflag:$0x2] =	stream.indirect.gather [hbm4b:s5+s19], $0x80, s24, s19, $0xb8;
	[tilespmem:$0x1E400] =	vst v63  }
0xcd: {  	_ = 	snop  }
0xce: {  	[spmem:s1] =	stream.indirect.scatter.add.f32 [tilespmem:s20], [sflag:$0x3], $0x80, s25, s19, $0xb8;
	[tilespmem:$0x1E400] =	vst v63  }
0xcf: {  	_ =	swait.ge [sflag:s17], $0x4000  }
0xd0: {  	[sflag:s17] =	ssyncset.done $0x0  }
0xd1: {  	[sflag:s17] =	ssyncadd.s32 $0xFFFFC000  }
0xd2: {  	_ =	swait.ge [sflag:s23], $0x4000  }
0xd3: {  	[sflag:s23] =	ssyncset.done $0x0  }
0xd4: {  	[sflag:s23] =	ssyncadd.s32 $0xFFFFC000  }
0xd5: {  	[spmem:s1] =	stream.indirect.scatter.add.f32 [tilespmem:s22], [sflag:$0x3], $0x80, s26, s19, $0xb8;
	[tilespmem:$0x1E400] =	vst v63  }
0xd6: {  	_ =	swait.ge [sflag:s17], $0x4000  }
0xd7: {  	[sflag:s17] =	ssyncset.done $0x0  }
0xd8: {  	s29 =	simm.s32 $0x0;
	[sflag:s17] =	ssyncadd.s32 $0xFFFFC000  }
0xd9: {  	[tilespmem:s29], [sflag:$0x3] =	stream.linear.gather [hbm4b:s13+s29], $0x1400, $0x38;
	[tilespmem:$0x1E400] =	vst v63  }
0xda: {  	_ =	swait.ge [sflag:s17], $0x1400  }
0xdb: {  	[sflag:s17] =	ssyncset.done $0x0  }
0xdc: {  	[sflag:s17] =	ssyncadd.s32 $0xFFFFEC00  }
0xdd: {  	[tilespmem:s18], [sflag:$0x3] =	stream.linear.gather [hbm4b:s14+s29], $0x1400, $0x38;
	[tilespmem:$0x1E400] =	vst v63  }
0xde: {  	_ =	swait.ge [sflag:s17], $0x1400  }
0xdf: {  	[sflag:s17] =	ssyncset.done $0x0  }
0xe0: {  	[sflag:s17] =	ssyncadd.s32 $0xFFFFEC00  }
0xe1: {  	[tilespmem:s20], [sflag:$0x1] =	stream.indirect.gather [hbm4b:s5+s19], $0x80, s29, s19, $0xb8;
	[tilespmem:$0x1E400] =	vst v63  }
0xe2: {  	_ =	swait.ge [sflag:s21], $0x4000  }
0xe3: {  	[sflag:s21] =	ssyncset.done $0x0  }
0xe4: {  	s29 =	simm.s32 $0x80;
	[sflag:s21] =	ssyncadd.s32 $0xFFFFC000  }
0xe5: {  	[tilespmem:s22], [sflag:$0x2] =	stream.indirect.gather [hbm4b:s5+s19], $0x80, s29, s19, $0xb8;
	[tilespmem:$0x1E400] =	vst v63  }
0xe6: {  	s29 =	simm.s32 $0x1400  }
0xe7: {  	[spmem:s1] =	stream.indirect.scatter.add.f32 [tilespmem:s20], [sflag:$0x3], $0x80, s29, s19, $0xb8;
	[tilespmem:$0x1E400] =	vst v63  }
0xe8: {  	_ =	swait.ge [sflag:s17], $0x4000  }
0xe9: {  	[sflag:s17] =	ssyncset.done $0x0  }
0xea: {  	[sflag:s17] =	ssyncadd.s32 $0xFFFFC000  }
0xeb: {  	_ =	swait.ge [sflag:s23], $0x4000  }
0xec: {  	[sflag:s23] =	ssyncset.done $0x0  }
0xed: {  	s29 =	simm.s32 $0x100;
	[sflag:s23] =	ssyncadd.s32 $0xFFFFC000  }
0xee: {  	[tilespmem:s20], [sflag:$0x1] =	stream.indirect.gather [hbm4b:s5+s19], $0x80, s29, s19, $0xb8;
	[tilespmem:$0x1E400] =	vst v63  }
0xef: {  	s29 =	simm.s32 $0x1480  }
0xf0: {  	[spmem:s1] =	stream.indirect.scatter.add.f32 [tilespmem:s22], [sflag:$0x3], $0x80, s29, s19, $0xb8;
	[tilespmem:$0x1E400] =	vst v63  }
0xf1: {  	_ =	swait.ge [sflag:s17], $0x4000  }
0xf2: {  	s29 =	simm.s32 $0x400;
	[sflag:s17] =	ssyncset.done $0x0  }
.LBB2_10:
0xf3: {  	p1 =	sne.s32 s29, $0x4800  }
0xf4: {  	[sflag:s17] =	ssyncadd.s32 $0xFFFFC000;
	s30 =	smov.u32 s29;
	s29 =	sadd.s32 $0x400, s29  }
0xf5: {  	_ = 	snop  }
0xf6: {  	_ =	swait.ge [sflag:s21], $0x4000  }
0xf7: {  	s30 =	sshra.s32 s30, $0x2;
	[sflag:s21] =	ssyncset.done $0x0  }
0xf8: {  	s31 =	sadd.s32 $0x80, s30;
	[sflag:s21] =	ssyncadd.s32 $0xFFFFC000  }
0xf9: {  	[tilespmem:s22], [sflag:$0x2] =	stream.indirect.gather [hbm4b:s5+s19], $0x80, s31, s19, $0xb8;
	[tilespmem:$0x1E400] =	vst v63  }
0xfa: {  	s31 =	sadd.s32 $0x1400, s30  }
0xfb: {  	[spmem:s1] =	stream.indirect.scatter.add.f32 [tilespmem:s20], [sflag:$0x3], $0x80, s31, s19, $0xb8;
	[tilespmem:$0x1E400] =	vst v63  }
0xfc: {  	_ =	swait.ge [sflag:s17], $0x4000  }
0xfd: {  	[sflag:s17] =	ssyncset.done $0x0  }
0xfe: {  	[sflag:s17] =	ssyncadd.s32 $0xFFFFC000  }
0xff: {  	_ =	swait.ge [sflag:s23], $0x4000  }
0x100: {  	[sflag:s23] =	ssyncset.done $0x0  }
0x101: {  	s31 =	sadd.s32 $0x100, s30;
	[sflag:s23] =	ssyncadd.s32 $0xFFFFC000  }
0x102: {  	[tilespmem:s20], [sflag:$0x1] =	stream.indirect.gather [hbm4b:s5+s19], $0x80, s31, s19, $0xb8;
	[tilespmem:$0x1E400] =	vst v63  }
.Ltmp7:
0x103: {  	_ = 	snop;
	(pc) =	sbr.rel @p1 .LBB2_10-.Ltmp7, $4  }
0x104: {  	s30 =	sadd.s32 $0x1480, s30  }
0x105: {  	[spmem:s1] =	stream.indirect.scatter.add.f32 [tilespmem:s22], [sflag:$0x3], $0x80, s30, s19, $0xb8;
	[tilespmem:$0x1E400] =	vst v63  }
0x106: {  	_ =	swait.ge [sflag:s17], $0x4000  }
0x107: {  	[sflag:s17] =	ssyncset.done $0x0  }
.Ltmp8:
0x108: {  	_ = 	snop;
	(pc) =	sbr.rel .LBB2_11-.Ltmp8, $1  }
0x109: {  	_ =	sdelay $0x3  }
.LBB2_13:
0x10a: {  	_ =	sfence.sel $0x180000  }
0x10b: {  	[bflag:$0x0] =	sbarrier.arrive $0xFFFF  }
0x10c: {  	p0 =	sne.s32 s4, $0x0;
	_ =	strace $0x90000047  }
0x10d: {  	s0 =	sadd.s32 @!p0 $0x100000, s0;
	[bflag:$0x2] =	sbarrier.arrive $0xFFFF  }
0x10e: {  	[sflag:s0] =	ssyncadd.tile.s32 @!p0 $0x1;
	_ =	shalt  }
.Lfunc_end2:
_tile_overlayer_lowered:
.L_overlay_start_2:
0x10f: {  	(tag) =	ssettag $0x2  }
0x110: {  	s0 =	rddreg [dreg:$0x0];
	s2 =	stileid.u32  }
0x111: {  	s1 =	rddreg [dreg:$0x1];
	p0 =	sne.s32 s2, $0x0  }
0x112: {  	s3 =	rddreg [dreg:$0x2];
	[bflag:$0x3] =	sbarrier.arrive $0xFFFF;
	s2 =	simm.s32 @!p0 $0x1C03  }
0x113: {  	[timem:s3], [sflag:s2] =	dma.local @!p0 [hbm:s0], s1  }
0x114: {  	s0 =	simm.s32 @!p0 $0x3  }
0x115: {  	_ =	swait.ge @!p0 [sflag:s0], s1  }
0x116: {  	s1 =	ssub.s32 @!p0 $0x0, s1;
	[sflag:s0] =	ssyncset.done @!p0 $0x0  }
0x117: {  	[sflag:s0] =	ssyncadd.s32 @!p0 s1  }
0x118: {  	[bflag:$0x3] =	sbarrier.arrive $0xFFFF  }
0x119: {  	_ =	shalt  }

</sc_bundles>
